<compile_context>
chip_gen: v7x
topology: tpu7x:2x2x1
jax: 0.10.2.dev20260603
libtpu: 0.0.44.dev20260713+nightly
codegen_flags: <defaults>
</compile_context>

<pallas_src>
import functools

import jax
import jax.numpy as jnp
from jax import lax
from jax.experimental import pallas as pl
from jax.experimental.pallas import tpu as pltpu
from jax.experimental.pallas import tpu_sc as plsc

MAX_LAYERS = 16
ANGULAR = 512
HD = 128
N_POS = 4 * 8192
IDX_ROWS = N_POS // 128
NW = 32
ROWS_PER_W = IDX_ROWS // NW


def _prep_body(c_ref, radial_ref, angular_ref, idx_ref, comb_ref):
    c = c_ref[...]
    n = jnp.clip(c[0, :, 0], 0, MAX_LAYERS - 1)
    m = jnp.clip(c[0, :, 1], 0, ANGULAR - 1)
    idx_ref[...] = (n * ANGULAR + m).reshape(8, 128)

    i = pl.program_id(0)
    r = radial_ref[i // 2, :]
    comb_ref[...] = angular_ref[...] + r[None, :]


def _prep(spiral_coords, radial, angular):
    return pl.pallas_call(
        _prep_body,
        grid=(32,),
        in_specs=[
            pl.BlockSpec((1, 1024, 3), lambda i: (i // 8, i % 8, 0)),
            pl.BlockSpec((MAX_LAYERS, HD), lambda i: (0, 0)),
            pl.BlockSpec((ANGULAR // 2, HD), lambda i: (i % 2, 0)),
        ],
        out_specs=[
            pl.BlockSpec((8, 128), lambda i: (i, 0)),
            pl.BlockSpec((ANGULAR // 2, HD), lambda i: (i, 0)),
        ],
        out_shape=[
            jax.ShapeDtypeStruct((IDX_ROWS + 16, 128), jnp.int32),
            jax.ShapeDtypeStruct((MAX_LAYERS * ANGULAR, HD), jnp.float32),
        ],
    )(spiral_coords, radial, angular)


def _make_sc_gather(row_start, rows_per_w):
    n_out = 32 * rows_per_w * 128

    def body(comb_hbm, idx_hbm, out_hbm, idx_v, rows0, rows1, g0, g1):
        c = lax.axis_index("c")
        s = lax.axis_index("s")
        wid = s * 2 + c
        base = row_start + wid * rows_per_w
        obase = wid * rows_per_w
        aligned = pl.multiple_of((base // 8) * 8, 8)
        local = base - aligned
        pltpu.sync_copy(idx_hbm.at[pl.ds(aligned, 16)], idx_v)

        bufs = (rows0, rows1)
        sems = (g0, g1)
        cps = [None] * rows_per_w
        cps[0] = pltpu.async_copy(comb_hbm.at[idx_v.at[local]], bufs[0], sems[0])
        for j in range(rows_per_w):
            if j + 1 < rows_per_w:
                cps[j + 1] = pltpu.async_copy(
                    comb_hbm.at[idx_v.at[local + (j + 1)]],
                    bufs[(j + 1) % 2],
                    sems[(j + 1) % 2],
                )
            cps[j].wait()
            pltpu.sync_copy(bufs[j % 2], out_hbm.at[pl.ds((obase + j) * 128, 128)])

    return functools.partial(
        pl.kernel,
        out_type=jax.ShapeDtypeStruct((n_out, HD), jnp.float32),
        mesh=plsc.VectorSubcoreMesh(core_axis_name="c", subcore_axis_name="s"),
        scratch_types=[
            pltpu.VMEM((16, 128), jnp.int32),
            pltpu.VMEM((128, HD), jnp.float32),
            pltpu.VMEM((128, HD), jnp.float32),
            pltpu.SemaphoreType.DMA,
            pltpu.SemaphoreType.DMA,
        ],
    )(body)


ROWS_A = 64
ROWS_B = IDX_ROWS - ROWS_A
_sc_gather_a = _make_sc_gather(0, ROWS_A // 32)
_sc_gather_b = _make_sc_gather(ROWS_A, ROWS_B // 32)


def _add_body(h_ref, e_ref, o_ref):
    e = e_ref[...]
    o_ref[...] = h_ref[...] + jnp.concatenate([e] * 16, axis=1)


def _add_body_inplace(prev_ref, h_ref, e_ref, o_ref):
    del prev_ref
    e = e_ref[...]
    o_ref[...] = h_ref[...] + jnp.concatenate([e] * 16, axis=1)


_BR = 1024


def _broadcast_add_a(hidden2, enc_a):
    return pl.pallas_call(
        _add_body,
        grid=(ROWS_A * 128 // _BR,),
        in_specs=[
            pl.BlockSpec((_BR, 16 * HD), lambda i: (i, 0)),
            pl.BlockSpec((_BR, HD), lambda i: (i, 0)),
        ],
        out_specs=pl.BlockSpec((_BR, 16 * HD), lambda i: (i, 0)),
        out_shape=jax.ShapeDtypeStruct((N_POS, 16 * HD), jnp.float32),
    )(hidden2, enc_a)


def _broadcast_add_b(partial_out, hidden2, enc_b):
    off = ROWS_A * 128 // _BR
    return pl.pallas_call(
        _add_body_inplace,
        grid=(ROWS_B * 128 // _BR,),
        in_specs=[
            pl.BlockSpec(memory_space=pltpu.MemorySpace.HBM),
            pl.BlockSpec((_BR, 16 * HD), lambda i: (i + off, 0)),
            pl.BlockSpec((_BR, HD), lambda i: (i, 0)),
        ],
        out_specs=pl.BlockSpec((_BR, 16 * HD), lambda i: (i + off, 0)),
        out_shape=jax.ShapeDtypeStruct((N_POS, 16 * HD), jnp.float32),
        input_output_aliases={0: 0},
    )(partial_out, hidden2, enc_b)


def kernel(hidden_states, spiral_coords, radial_freq, angular_freq):
    batch_size, seq_len, dim = hidden_states.shape
    fused_idx, comb = _prep(
        spiral_coords.astype(jnp.int32), radial_freq[0, 0], angular_freq[0, 0]
    )
    enc_a = _sc_gather_a(comb, fused_idx)
    enc_b = _sc_gather_b(comb, fused_idx)
    hidden2 = hidden_states.reshape(N_POS, 16 * HD)
    out_a = _broadcast_add_a(hidden2, enc_a)
    out2 = _broadcast_add_b(out_a, hidden2, enc_b)
    return out2.reshape(batch_size, seq_len, dim)

# --- scband reference (transcript-rebuilt; emitter-appended) ---
"""Pipeline reference for scband-spiral-positional-encoding-78013785964853 (READ-ONLY COPY).

The authoritative reference and input builder live on the scoring server;
editing this copy changes nothing except your own understanding.
"""

import jax, jax.numpy as jnp
import numpy as np

B, S, D, H, HD = 4, 8192, 2048, 16, 128
MAX_LAYERS = 16
ANGULAR = 512


def setup_inputs(seed: int = 0) -> dict:
    key = jax.random.key(seed)
    k1, k2, k3, k4 = jax.random.split(key, 4)
    hidden_states = jax.random.normal(k1, (B, S, D), dtype=jnp.float32)
    spiral_coords = jax.random.randint(k2, (B, S, 3), 0, 512, dtype=jnp.int64)
    radial_freq = jax.random.normal(k3, (1, 1, MAX_LAYERS, HD), dtype=jnp.float32) * 0.02
    angular_freq = jax.random.normal(k4, (1, 1, ANGULAR, HD), dtype=jnp.float32) * 0.02
    return {
        "hidden_states": hidden_states,
        "spiral_coords": spiral_coords,
        "radial_freq": radial_freq,
        "angular_freq": angular_freq,
    }


def reference(hidden_states, spiral_coords, radial_freq, angular_freq):
    batch_size, seq_len, _ = hidden_states.shape
    n = jnp.clip(spiral_coords[:, :, 0].astype(jnp.int32), 0, MAX_LAYERS - 1)
    m = jnp.clip(spiral_coords[:, :, 1].astype(jnp.int32), 0, ANGULAR - 1)
    # k coordinate is clamped in the torch module but never used downstream
    radial_encoding = jnp.take(radial_freq[0, 0], n, axis=0)    # [B, S, HD]
    angular_encoding = jnp.take(angular_freq[0, 0], m, axis=0)  # [B, S, HD]
    spiral_encoding = radial_encoding + angular_encoding         # [B, S, HD]
    spiral_encoding = jnp.broadcast_to(
        spiral_encoding[:, :, None, :], (batch_size, seq_len, H, HD)
    ).reshape(batch_size, seq_len, H * HD)
    return hidden_states + spiral_encoding

if __name__ == "__main__":
    import jax
    _d = setup_inputs()
    print(jax.jit(kernel)(*tuple(_d.values())))

</pallas_src>

<mosaic_0001>
#map = affine_map<(d0, d1) -> (0, 0)>
module attributes {stable_mosaic.version = 14 : i64} {
  func.func @body(%arg0: i32, %arg1: i32, %arg2: memref<8192x128xf32, #tpu.memory_space<hbm>>, %arg3: memref<272x128xi32, #tpu.memory_space<hbm>>, %arg4: memref<24576x128xf32, #tpu.memory_space<hbm>>, %arg5: memref<16x128xi32, #tpu.memory_space<vmem>>, %arg6: memref<128x128xf32, #tpu.memory_space<vmem>>, %arg7: memref<128x128xf32, #tpu.memory_space<vmem>>, %arg8: memref<!tpu.dma_semaphore, #tpu.memory_space<semaphore_mem>>, %arg9: memref<!tpu.dma_semaphore, #tpu.memory_space<semaphore_mem>>) attributes {dimension_semantics = [#tpu.dimension_semantics<core_parallel>, #tpu.dimension_semantics<subcore_parallel>], iteration_bounds = array<i64: 2, 16>, scalar_prefetch = 0 : i64, scratch_operands = 5 : i64, tpu.core_type = #tpu.core_type<sc_vector_subcore>, window_params = [{transform_indices = #map}, {transform_indices = #map}, {transform_indices = #map}]} {
    %mul3A = arith.constant 2 : i32
    %mul3A_0 = arith.muli %arg1, %mul3A : i32
    %add3A = arith.addi %mul3A_0, %arg0 : i32
    %mul3A_1 = arith.constant 6 : i32
    %mul3A_2 = arith.muli %add3A, %mul3A_1 : i32
    %add3A_3 = arith.constant 64 : i32
    %add3A_4 = arith.addi %add3A_3, %mul3A_2 : i32
    %mul3A_5 = arith.constant 6 : i32
    %mul3A_6 = arith.muli %add3A, %mul3A_5 : i32
    %jit3A = arith.constant 8 : i32
    %div3A = arith.divsi %add3A_4, %jit3A : i32
    %sign3A = arith.constant 0 : i32
    %sign3A_7 = arith.cmpi sgt, %add3A_4, %sign3A : i32
    %sign3A_8 = arith.extui %sign3A_7 : i1 to i32
    %sign3A_9 = arith.constant 0 : i32
    %sign3A_10 = arith.cmpi slt, %add3A_4, %sign3A_9 : i32
    %sign3A_11 = arith.extui %sign3A_10 : i1 to i32
    %sign3A_12 = arith.subi %sign3A_8, %sign3A_11 : i32
    %sign3A_13 = arith.constant 0 : i32
    %sign3A_14 = arith.cmpi sgt, %jit3A, %sign3A_13 : i32
    %sign3A_15 = arith.extui %sign3A_14 : i1 to i32
    %sign3A_16 = arith.constant 0 : i32
    %sign3A_17 = arith.cmpi slt, %jit3A, %sign3A_16 : i32
    %sign3A_18 = arith.extui %sign3A_17 : i1 to i32
    %sign3A_19 = arith.subi %sign3A_15, %sign3A_18 : i32
    %ne3A = arith.cmpi ne, %sign3A_12, %sign3A_19 : i32
    %rem3A = arith.remsi %add3A_4, %jit3A : i32
    %ne3A_20 = arith.constant 0 : i32
    %ne3A_21 = arith.cmpi ne, %rem3A, %ne3A_20 : i32
    %and3A = arith.andi %ne3A, %ne3A_21 : i1
    %sub3A = arith.constant 1 : i32
    %sub3A_22 = arith.subi %div3A, %sub3A : i32
    %select_n3A = arith.select %and3A, %sub3A_22, %div3A : i32
    %mul3A_23 = arith.constant 8 : i32
    %mul3A_24 = arith.muli %select_n3A, %mul3A_23 : i32
    %multiple_of3A = tpu.assume_multiple %mul3A_24, 8 : i32
    %sub3A_25 = arith.subi %add3A_4, %multiple_of3A : i32
    "tpu.region"() ({
      %run_scoped3A = tpu.sem_alloc : memref<!tpu.dma_semaphore, #tpu.memory_space<semaphore_mem>>
      %dma_start3A_130 = arith.constant 0 : i32
      %dma_start3A_131 = tpu.memref_slice %arg3[%multiple_of3A, %dma_start3A_130] : memref<272x128xi32, #tpu.memory_space<hbm>> -> memref<16x128xi32, #tpu.memory_space<hbm>>
      %dma_start3A_132 = arith.constant 0 : i32
      %dma_start3A_133 = tpu.memref_slice %arg3[%multiple_of3A, %dma_start3A_132] : memref<272x128xi32, #tpu.memory_space<hbm>> -> memref<16x128xi32, #tpu.memory_space<hbm>>
      tpu.enqueue_dma source(%dma_start3A_133 : memref<16x128xi32, #tpu.memory_space<hbm>>) target(%arg5 : memref<16x128xi32, #tpu.memory_space<vmem>>) target_semaphore(%run_scoped3A : memref<!tpu.dma_semaphore, #tpu.memory_space<semaphore_mem>>)
      %dma_wait3A_134 = arith.constant 0 : i32
      %dma_wait3A_135 = tpu.memref_slice %arg3[%multiple_of3A, %dma_wait3A_134] : memref<272x128xi32, #tpu.memory_space<hbm>> -> memref<16x128xi32, #tpu.memory_space<hbm>>
      %dma_wait3A_136 = arith.constant 0 : i32
      %dma_wait3A_137 = tpu.memref_slice %arg3[%multiple_of3A, %dma_wait3A_136] : memref<272x128xi32, #tpu.memory_space<hbm>> -> memref<16x128xi32, #tpu.memory_space<hbm>>
      tpu.wait_dma2 semaphore(%run_scoped3A : memref<!tpu.dma_semaphore, #tpu.memory_space<semaphore_mem>>) src(%dma_wait3A_137 : memref<16x128xi32, #tpu.memory_space<hbm>>) dst(%arg5 : memref<16x128xi32, #tpu.memory_space<vmem>>)
      tpu.yield
    }) : () -> ()
    %dma_start3A = arith.constant 0 : i32
    %dma_start3A_26 = tpu.memref_slice %arg5[%sub3A_25, %dma_start3A] : memref<16x128xi32, #tpu.memory_space<vmem>> -> memref<1x128xi32, #tpu.memory_space<vmem>>
    %dma_start3A_27 = tpu.memref_squeeze %dma_start3A_26 : memref<1x128xi32, #tpu.memory_space<vmem>> -> memref<128xi32, #tpu.memory_space<vmem>>
    %dma_start3A_28 = arith.constant 0 : i32
    %dma_start3A_29 = arith.constant 0 : i32
    %dma_start3A_30 = tpu.memref_slice %arg2[%dma_start3A_28, %dma_start3A_29] : memref<8192x128xf32, #tpu.memory_space<hbm>> -> memref<8192x128xf32, #tpu.memory_space<hbm>>
    tpu.enqueue_indirect_dma source(%dma_start3A_30 : memref<8192x128xf32, #tpu.memory_space<hbm>>) target(%arg6 : memref<128x128xf32, #tpu.memory_space<vmem>>) offsets(%dma_start3A_27 : memref<128xi32, #tpu.memory_space<vmem>>) semaphore(%arg8 : memref<!tpu.dma_semaphore, #tpu.memory_space<semaphore_mem>>)
    %add3A_31 = arith.constant 1 : i32
    %add3A_32 = arith.addi %sub3A_25, %add3A_31 : i32
    %dma_start3A_33 = arith.constant 0 : i32
    %dma_start3A_34 = tpu.memref_slice %arg5[%add3A_32, %dma_start3A_33] : memref<16x128xi32, #tpu.memory_space<vmem>> -> memref<1x128xi32, #tpu.memory_space<vmem>>
    %dma_start3A_35 = tpu.memref_squeeze %dma_start3A_34 : memref<1x128xi32, #tpu.memory_space<vmem>> -> memref<128xi32, #tpu.memory_space<vmem>>
    %dma_start3A_36 = arith.constant 0 : i32
    %dma_start3A_37 = arith.constant 0 : i32
    %dma_start3A_38 = tpu.memref_slice %arg2[%dma_start3A_36, %dma_start3A_37] : memref<8192x128xf32, #tpu.memory_space<hbm>> -> memref<8192x128xf32, #tpu.memory_space<hbm>>
    tpu.enqueue_indirect_dma source(%dma_start3A_38 : memref<8192x128xf32, #tpu.memory_space<hbm>>) target(%arg7 : memref<128x128xf32, #tpu.memory_space<vmem>>) offsets(%dma_start3A_35 : memref<128xi32, #tpu.memory_space<vmem>>) semaphore(%arg9 : memref<!tpu.dma_semaphore, #tpu.memory_space<semaphore_mem>>)
    %dma_wait3A = arith.constant 0 : i32
    %dma_wait3A_39 = tpu.memref_slice %arg5[%sub3A_25, %dma_wait3A] : memref<16x128xi32, #tpu.memory_space<vmem>> -> memref<1x128xi32, #tpu.memory_space<vmem>>
    %dma_wait3A_40 = tpu.memref_squeeze %dma_wait3A_39 : memref<1x128xi32, #tpu.memory_space<vmem>> -> memref<128xi32, #tpu.memory_space<vmem>>
    %dma_wait3A_41 = arith.constant 0 : i32
    %dma_wait3A_42 = arith.constant 0 : i32
    %dma_wait3A_43 = tpu.memref_slice %arg2[%dma_wait3A_41, %dma_wait3A_42] : memref<8192x128xf32, #tpu.memory_space<hbm>> -> memref<8192x128xf32, #tpu.memory_space<hbm>>
    tpu.wait_indirect_dma semaphore(%arg8 : memref<!tpu.dma_semaphore, #tpu.memory_space<semaphore_mem>>) src(%dma_wait3A_43 : memref<8192x128xf32, #tpu.memory_space<hbm>>) dst(%arg6 : memref<128x128xf32, #tpu.memory_space<vmem>>)
    %add3A_44 = arith.constant 0 : i32
    %add3A_45 = arith.addi %mul3A_6, %add3A_44 : i32
    %mul3A_46 = arith.constant 128 : i32
    %mul3A_47 = arith.muli %add3A_45, %mul3A_46 : i32
    "tpu.region"() ({
      %run_scoped3A = tpu.sem_alloc : memref<!tpu.dma_semaphore, #tpu.memory_space<semaphore_mem>>
      %dma_start3A_130 = arith.constant 0 : i32
      %dma_start3A_131 = tpu.memref_slice %arg4[%mul3A_47, %dma_start3A_130] : memref<24576x128xf32, #tpu.memory_space<hbm>> -> memref<128x128xf32, #tpu.memory_space<hbm>>
      %dma_start3A_132 = arith.constant 0 : i32
      %dma_start3A_133 = tpu.memref_slice %arg4[%mul3A_47, %dma_start3A_132] : memref<24576x128xf32, #tpu.memory_space<hbm>> -> memref<128x128xf32, #tpu.memory_space<hbm>>
      tpu.enqueue_dma source(%arg6 : memref<128x128xf32, #tpu.memory_space<vmem>>) target(%dma_start3A_133 : memref<128x128xf32, #tpu.memory_space<hbm>>) target_semaphore(%run_scoped3A : memref<!tpu.dma_semaphore, #tpu.memory_space<semaphore_mem>>)
      %dma_wait3A_134 = arith.constant 0 : i32
      %dma_wait3A_135 = tpu.memref_slice %arg4[%mul3A_47, %dma_wait3A_134] : memref<24576x128xf32, #tpu.memory_space<hbm>> -> memref<128x128xf32, #tpu.memory_space<hbm>>
      %dma_wait3A_136 = arith.constant 0 : i32
      %dma_wait3A_137 = tpu.memref_slice %arg4[%mul3A_47, %dma_wait3A_136] : memref<24576x128xf32, #tpu.memory_space<hbm>> -> memref<128x128xf32, #tpu.memory_space<hbm>>
      tpu.wait_dma2 semaphore(%run_scoped3A : memref<!tpu.dma_semaphore, #tpu.memory_space<semaphore_mem>>) src(%arg6 : memref<128x128xf32, #tpu.memory_space<vmem>>) dst(%dma_wait3A_137 : memref<128x128xf32, #tpu.memory_space<hbm>>)
      tpu.yield
    }) : () -> ()
    %add3A_48 = arith.constant 2 : i32
    %add3A_49 = arith.addi %sub3A_25, %add3A_48 : i32
    %dma_start3A_50 = arith.constant 0 : i32
    %dma_start3A_51 = tpu.memref_slice %arg5[%add3A_49, %dma_start3A_50] : memref<16x128xi32, #tpu.memory_space<vmem>> -> memref<1x128xi32, #tpu.memory_space<vmem>>
    %dma_start3A_52 = tpu.memref_squeeze %dma_start3A_51 : memref<1x128xi32, #tpu.memory_space<vmem>> -> memref<128xi32, #tpu.memory_space<vmem>>
    %dma_start3A_53 = arith.constant 0 : i32
    %dma_start3A_54 = arith.constant 0 : i32
    %dma_start3A_55 = tpu.memref_slice %arg2[%dma_start3A_53, %dma_start3A_54] : memref<8192x128xf32, #tpu.memory_space<hbm>> -> memref<8192x128xf32, #tpu.memory_space<hbm>>
    tpu.enqueue_indirect_dma source(%dma_start3A_55 : memref<8192x128xf32, #tpu.memory_space<hbm>>) target(%arg6 : memref<128x128xf32, #tpu.memory_space<vmem>>) offsets(%dma_start3A_52 : memref<128xi32, #tpu.memory_space<vmem>>) semaphore(%arg8 : memref<!tpu.dma_semaphore, #tpu.memory_space<semaphore_mem>>)
    %dma_wait3A_56 = arith.constant 0 : i32
    %dma_wait3A_57 = tpu.memref_slice %arg5[%add3A_32, %dma_wait3A_56] : memref<16x128xi32, #tpu.memory_space<vmem>> -> memref<1x128xi32, #tpu.memory_space<vmem>>
    %dma_wait3A_58 = tpu.memref_squeeze %dma_wait3A_57 : memref<1x128xi32, #tpu.memory_space<vmem>> -> memref<128xi32, #tpu.memory_space<vmem>>
    %dma_wait3A_59 = arith.constant 0 : i32
    %dma_wait3A_60 = arith.constant 0 : i32
    %dma_wait3A_61 = tpu.memref_slice %arg2[%dma_wait3A_59, %dma_wait3A_60] : memref<8192x128xf32, #tpu.memory_space<hbm>> -> memref<8192x128xf32, #tpu.memory_space<hbm>>
    tpu.wait_indirect_dma semaphore(%arg9 : memref<!tpu.dma_semaphore, #tpu.memory_space<semaphore_mem>>) src(%dma_wait3A_61 : memref<8192x128xf32, #tpu.memory_space<hbm>>) dst(%arg7 : memref<128x128xf32, #tpu.memory_space<vmem>>)
    %add3A_62 = arith.constant 1 : i32
    %add3A_63 = arith.addi %mul3A_6, %add3A_62 : i32
    %mul3A_64 = arith.constant 128 : i32
    %mul3A_65 = arith.muli %add3A_63, %mul3A_64 : i32
    "tpu.region"() ({
      %run_scoped3A = tpu.sem_alloc : memref<!tpu.dma_semaphore, #tpu.memory_space<semaphore_mem>>
      %dma_start3A_130 = arith.constant 0 : i32
      %dma_start3A_131 = tpu.memref_slice %arg4[%mul3A_65, %dma_start3A_130] : memref<24576x128xf32, #tpu.memory_space<hbm>> -> memref<128x128xf32, #tpu.memory_space<hbm>>
      %dma_start3A_132 = arith.constant 0 : i32
      %dma_start3A_133 = tpu.memref_slice %arg4[%mul3A_65, %dma_start3A_132] : memref<24576x128xf32, #tpu.memory_space<hbm>> -> memref<128x128xf32, #tpu.memory_space<hbm>>
      tpu.enqueue_dma source(%arg7 : memref<128x128xf32, #tpu.memory_space<vmem>>) target(%dma_start3A_133 : memref<128x128xf32, #tpu.memory_space<hbm>>) target_semaphore(%run_scoped3A : memref<!tpu.dma_semaphore, #tpu.memory_space<semaphore_mem>>)
      %dma_wait3A_134 = arith.constant 0 : i32
      %dma_wait3A_135 = tpu.memref_slice %arg4[%mul3A_65, %dma_wait3A_134] : memref<24576x128xf32, #tpu.memory_space<hbm>> -> memref<128x128xf32, #tpu.memory_space<hbm>>
      %dma_wait3A_136 = arith.constant 0 : i32
      %dma_wait3A_137 = tpu.memref_slice %arg4[%mul3A_65, %dma_wait3A_136] : memref<24576x128xf32, #tpu.memory_space<hbm>> -> memref<128x128xf32, #tpu.memory_space<hbm>>
      tpu.wait_dma2 semaphore(%run_scoped3A : memref<!tpu.dma_semaphore, #tpu.memory_space<semaphore_mem>>) src(%arg7 : memref<128x128xf32, #tpu.memory_space<vmem>>) dst(%dma_wait3A_137 : memref<128x128xf32, #tpu.memory_space<hbm>>)
      tpu.yield
    }) : () -> ()
    %add3A_66 = arith.constant 3 : i32
    %add3A_67 = arith.addi %sub3A_25, %add3A_66 : i32
    %dma_start3A_68 = arith.constant 0 : i32
    %dma_start3A_69 = tpu.memref_slice %arg5[%add3A_67, %dma_start3A_68] : memref<16x128xi32, #tpu.memory_space<vmem>> -> memref<1x128xi32, #tpu.memory_space<vmem>>
    %dma_start3A_70 = tpu.memref_squeeze %dma_start3A_69 : memref<1x128xi32, #tpu.memory_space<vmem>> -> memref<128xi32, #tpu.memory_space<vmem>>
    %dma_start3A_71 = arith.constant 0 : i32
    %dma_start3A_72 = arith.constant 0 : i32
    %dma_start3A_73 = tpu.memref_slice %arg2[%dma_start3A_71, %dma_start3A_72] : memref<8192x128xf32, #tpu.memory_space<hbm>> -> memref<8192x128xf32, #tpu.memory_space<hbm>>
    tpu.enqueue_indirect_dma source(%dma_start3A_73 : memref<8192x128xf32, #tpu.memory_space<hbm>>) target(%arg7 : memref<128x128xf32, #tpu.memory_space<vmem>>) offsets(%dma_start3A_70 : memref<128xi32, #tpu.memory_space<vmem>>) semaphore(%arg9 : memref<!tpu.dma_semaphore, #tpu.memory_space<semaphore_mem>>)
    %dma_wait3A_74 = arith.constant 0 : i32
    %dma_wait3A_75 = tpu.memref_slice %arg5[%add3A_49, %dma_wait3A_74] : memref<16x128xi32, #tpu.memory_space<vmem>> -> memref<1x128xi32, #tpu.memory_space<vmem>>
    %dma_wait3A_76 = tpu.memref_squeeze %dma_wait3A_75 : memref<1x128xi32, #tpu.memory_space<vmem>> -> memref<128xi32, #tpu.memory_space<vmem>>
    %dma_wait3A_77 = arith.constant 0 : i32
    %dma_wait3A_78 = arith.constant 0 : i32
    %dma_wait3A_79 = tpu.memref_slice %arg2[%dma_wait3A_77, %dma_wait3A_78] : memref<8192x128xf32, #tpu.memory_space<hbm>> -> memref<8192x128xf32, #tpu.memory_space<hbm>>
    tpu.wait_indirect_dma semaphore(%arg8 : memref<!tpu.dma_semaphore, #tpu.memory_space<semaphore_mem>>) src(%dma_wait3A_79 : memref<8192x128xf32, #tpu.memory_space<hbm>>) dst(%arg6 : memref<128x128xf32, #tpu.memory_space<vmem>>)
    %add3A_80 = arith.constant 2 : i32
    %add3A_81 = arith.addi %mul3A_6, %add3A_80 : i32
    %mul3A_82 = arith.constant 128 : i32
    %mul3A_83 = arith.muli %add3A_81, %mul3A_82 : i32
    "tpu.region"() ({
      %run_scoped3A = tpu.sem_alloc : memref<!tpu.dma_semaphore, #tpu.memory_space<semaphore_mem>>
      %dma_start3A_130 = arith.constant 0 : i32
      %dma_start3A_131 = tpu.memref_slice %arg4[%mul3A_83, %dma_start3A_130] : memref<24576x128xf32, #tpu.memory_space<hbm>> -> memref<128x128xf32, #tpu.memory_space<hbm>>
      %dma_start3A_132 = arith.constant 0 : i32
      %dma_start3A_133 = tpu.memref_slice %arg4[%mul3A_83, %dma_start3A_132] : memref<24576x128xf32, #tpu.memory_space<hbm>> -> memref<128x128xf32, #tpu.memory_space<hbm>>
      tpu.enqueue_dma source(%arg6 : memref<128x128xf32, #tpu.memory_space<vmem>>) target(%dma_start3A_133 : memref<128x128xf32, #tpu.memory_space<hbm>>) target_semaphore(%run_scoped3A : memref<!tpu.dma_semaphore, #tpu.memory_space<semaphore_mem>>)
      %dma_wait3A_134 = arith.constant 0 : i32
      %dma_wait3A_135 = tpu.memref_slice %arg4[%mul3A_83, %dma_wait3A_134] : memref<24576x128xf32, #tpu.memory_space<hbm>> -> memref<128x128xf32, #tpu.memory_space<hbm>>
      %dma_wait3A_136 = arith.constant 0 : i32
      %dma_wait3A_137 = tpu.memref_slice %arg4[%mul3A_83, %dma_wait3A_136] : memref<24576x128xf32, #tpu.memory_space<hbm>> -> memref<128x128xf32, #tpu.memory_space<hbm>>
      tpu.wait_dma2 semaphore(%run_scoped3A : memref<!tpu.dma_semaphore, #tpu.memory_space<semaphore_mem>>) src(%arg6 : memref<128x128xf32, #tpu.memory_space<vmem>>) dst(%dma_wait3A_137 : memref<128x128xf32, #tpu.memory_space<hbm>>)
      tpu.yield
    }) : () -> ()
    %add3A_84 = arith.constant 4 : i32
    %add3A_85 = arith.addi %sub3A_25, %add3A_84 : i32
    %dma_start3A_86 = arith.constant 0 : i32
    %dma_start3A_87 = tpu.memref_slice %arg5[%add3A_85, %dma_start3A_86] : memref<16x128xi32, #tpu.memory_space<vmem>> -> memref<1x128xi32, #tpu.memory_space<vmem>>
    %dma_start3A_88 = tpu.memref_squeeze %dma_start3A_87 : memref<1x128xi32, #tpu.memory_space<vmem>> -> memref<128xi32, #tpu.memory_space<vmem>>
    %dma_start3A_89 = arith.constant 0 : i32
    %dma_start3A_90 = arith.constant 0 : i32
    %dma_start3A_91 = tpu.memref_slice %arg2[%dma_start3A_89, %dma_start3A_90] : memref<8192x128xf32, #tpu.memory_space<hbm>> -> memref<8192x128xf32, #tpu.memory_space<hbm>>
    tpu.enqueue_indirect_dma source(%dma_start3A_91 : memref<8192x128xf32, #tpu.memory_space<hbm>>) target(%arg6 : memref<128x128xf32, #tpu.memory_space<vmem>>) offsets(%dma_start3A_88 : memref<128xi32, #tpu.memory_space<vmem>>) semaphore(%arg8 : memref<!tpu.dma_semaphore, #tpu.memory_space<semaphore_mem>>)
    %dma_wait3A_92 = arith.constant 0 : i32
    %dma_wait3A_93 = tpu.memref_slice %arg5[%add3A_67, %dma_wait3A_92] : memref<16x128xi32, #tpu.memory_space<vmem>> -> memref<1x128xi32, #tpu.memory_space<vmem>>
    %dma_wait3A_94 = tpu.memref_squeeze %dma_wait3A_93 : memref<1x128xi32, #tpu.memory_space<vmem>> -> memref<128xi32, #tpu.memory_space<vmem>>
    %dma_wait3A_95 = arith.constant 0 : i32
    %dma_wait3A_96 = arith.constant 0 : i32
    %dma_wait3A_97 = tpu.memref_slice %arg2[%dma_wait3A_95, %dma_wait3A_96] : memref<8192x128xf32, #tpu.memory_space<hbm>> -> memref<8192x128xf32, #tpu.memory_space<hbm>>
    tpu.wait_indirect_dma semaphore(%arg9 : memref<!tpu.dma_semaphore, #tpu.memory_space<semaphore_mem>>) src(%dma_wait3A_97 : memref<8192x128xf32, #tpu.memory_space<hbm>>) dst(%arg7 : memref<128x128xf32, #tpu.memory_space<vmem>>)
    %add3A_98 = arith.constant 3 : i32
    %add3A_99 = arith.addi %mul3A_6, %add3A_98 : i32
    %mul3A_100 = arith.constant 128 : i32
    %mul3A_101 = arith.muli %add3A_99, %mul3A_100 : i32
    "tpu.region"() ({
      %run_scoped3A = tpu.sem_alloc : memref<!tpu.dma_semaphore, #tpu.memory_space<semaphore_mem>>
      %dma_start3A_130 = arith.constant 0 : i32
      %dma_start3A_131 = tpu.memref_slice %arg4[%mul3A_101, %dma_start3A_130] : memref<24576x128xf32, #tpu.memory_space<hbm>> -> memref<128x128xf32, #tpu.memory_space<hbm>>
      %dma_start3A_132 = arith.constant 0 : i32
      %dma_start3A_133 = tpu.memref_slice %arg4[%mul3A_101, %dma_start3A_132] : memref<24576x128xf32, #tpu.memory_space<hbm>> -> memref<128x128xf32, #tpu.memory_space<hbm>>
      tpu.enqueue_dma source(%arg7 : memref<128x128xf32, #tpu.memory_space<vmem>>) target(%dma_start3A_133 : memref<128x128xf32, #tpu.memory_space<hbm>>) target_semaphore(%run_scoped3A : memref<!tpu.dma_semaphore, #tpu.memory_space<semaphore_mem>>)
      %dma_wait3A_134 = arith.constant 0 : i32
      %dma_wait3A_135 = tpu.memref_slice %arg4[%mul3A_101, %dma_wait3A_134] : memref<24576x128xf32, #tpu.memory_space<hbm>> -> memref<128x128xf32, #tpu.memory_space<hbm>>
      %dma_wait3A_136 = arith.constant 0 : i32
      %dma_wait3A_137 = tpu.memref_slice %arg4[%mul3A_101, %dma_wait3A_136] : memref<24576x128xf32, #tpu.memory_space<hbm>> -> memref<128x128xf32, #tpu.memory_space<hbm>>
      tpu.wait_dma2 semaphore(%run_scoped3A : memref<!tpu.dma_semaphore, #tpu.memory_space<semaphore_mem>>) src(%arg7 : memref<128x128xf32, #tpu.memory_space<vmem>>) dst(%dma_wait3A_137 : memref<128x128xf32, #tpu.memory_space<hbm>>)
      tpu.yield
    }) : () -> ()
    %add3A_102 = arith.constant 5 : i32
    %add3A_103 = arith.addi %sub3A_25, %add3A_102 : i32
    %dma_start3A_104 = arith.constant 0 : i32
    %dma_start3A_105 = tpu.memref_slice %arg5[%add3A_103, %dma_start3A_104] : memref<16x128xi32, #tpu.memory_space<vmem>> -> memref<1x128xi32, #tpu.memory_space<vmem>>
    %dma_start3A_106 = tpu.memref_squeeze %dma_start3A_105 : memref<1x128xi32, #tpu.memory_space<vmem>> -> memref<128xi32, #tpu.memory_space<vmem>>
    %dma_start3A_107 = arith.constant 0 : i32
    %dma_start3A_108 = arith.constant 0 : i32
    %dma_start3A_109 = tpu.memref_slice %arg2[%dma_start3A_107, %dma_start3A_108] : memref<8192x128xf32, #tpu.memory_space<hbm>> -> memref<8192x128xf32, #tpu.memory_space<hbm>>
    tpu.enqueue_indirect_dma source(%dma_start3A_109 : memref<8192x128xf32, #tpu.memory_space<hbm>>) target(%arg7 : memref<128x128xf32, #tpu.memory_space<vmem>>) offsets(%dma_start3A_106 : memref<128xi32, #tpu.memory_space<vmem>>) semaphore(%arg9 : memref<!tpu.dma_semaphore, #tpu.memory_space<semaphore_mem>>)
    %dma_wait3A_110 = arith.constant 0 : i32
    %dma_wait3A_111 = tpu.memref_slice %arg5[%add3A_85, %dma_wait3A_110] : memref<16x128xi32, #tpu.memory_space<vmem>> -> memref<1x128xi32, #tpu.memory_space<vmem>>
    %dma_wait3A_112 = tpu.memref_squeeze %dma_wait3A_111 : memref<1x128xi32, #tpu.memory_space<vmem>> -> memref<128xi32, #tpu.memory_space<vmem>>
    %dma_wait3A_113 = arith.constant 0 : i32
    %dma_wait3A_114 = arith.constant 0 : i32
    %dma_wait3A_115 = tpu.memref_slice %arg2[%dma_wait3A_113, %dma_wait3A_114] : memref<8192x128xf32, #tpu.memory_space<hbm>> -> memref<8192x128xf32, #tpu.memory_space<hbm>>
    tpu.wait_indirect_dma semaphore(%arg8 : memref<!tpu.dma_semaphore, #tpu.memory_space<semaphore_mem>>) src(%dma_wait3A_115 : memref<8192x128xf32, #tpu.memory_space<hbm>>) dst(%arg6 : memref<128x128xf32, #tpu.memory_space<vmem>>)
    %add3A_116 = arith.constant 4 : i32
    %add3A_117 = arith.addi %mul3A_6, %add3A_116 : i32
    %mul3A_118 = arith.constant 128 : i32
    %mul3A_119 = arith.muli %add3A_117, %mul3A_118 : i32
    "tpu.region"() ({
      %run_scoped3A = tpu.sem_alloc : memref<!tpu.dma_semaphore, #tpu.memory_space<semaphore_mem>>
      %dma_start3A_130 = arith.constant 0 : i32
      %dma_start3A_131 = tpu.memref_slice %arg4[%mul3A_119, %dma_start3A_130] : memref<24576x128xf32, #tpu.memory_space<hbm>> -> memref<128x128xf32, #tpu.memory_space<hbm>>
      %dma_start3A_132 = arith.constant 0 : i32
      %dma_start3A_133 = tpu.memref_slice %arg4[%mul3A_119, %dma_start3A_132] : memref<24576x128xf32, #tpu.memory_space<hbm>> -> memref<128x128xf32, #tpu.memory_space<hbm>>
      tpu.enqueue_dma source(%arg6 : memref<128x128xf32, #tpu.memory_space<vmem>>) target(%dma_start3A_133 : memref<128x128xf32, #tpu.memory_space<hbm>>) target_semaphore(%run_scoped3A : memref<!tpu.dma_semaphore, #tpu.memory_space<semaphore_mem>>)
      %dma_wait3A_134 = arith.constant 0 : i32
      %dma_wait3A_135 = tpu.memref_slice %arg4[%mul3A_119, %dma_wait3A_134] : memref<24576x128xf32, #tpu.memory_space<hbm>> -> memref<128x128xf32, #tpu.memory_space<hbm>>
      %dma_wait3A_136 = arith.constant 0 : i32
      %dma_wait3A_137 = tpu.memref_slice %arg4[%mul3A_119, %dma_wait3A_136] : memref<24576x128xf32, #tpu.memory_space<hbm>> -> memref<128x128xf32, #tpu.memory_space<hbm>>
      tpu.wait_dma2 semaphore(%run_scoped3A : memref<!tpu.dma_semaphore, #tpu.memory_space<semaphore_mem>>) src(%arg6 : memref<128x128xf32, #tpu.memory_space<vmem>>) dst(%dma_wait3A_137 : memref<128x128xf32, #tpu.memory_space<hbm>>)
      tpu.yield
    }) : () -> ()
    %dma_wait3A_120 = arith.constant 0 : i32
    %dma_wait3A_121 = tpu.memref_slice %arg5[%add3A_103, %dma_wait3A_120] : memref<16x128xi32, #tpu.memory_space<vmem>> -> memref<1x128xi32, #tpu.memory_space<vmem>>
    %dma_wait3A_122 = tpu.memref_squeeze %dma_wait3A_121 : memref<1x128xi32, #tpu.memory_space<vmem>> -> memref<128xi32, #tpu.memory_space<vmem>>
    %dma_wait3A_123 = arith.constant 0 : i32
    %dma_wait3A_124 = arith.constant 0 : i32
    %dma_wait3A_125 = tpu.memref_slice %arg2[%dma_wait3A_123, %dma_wait3A_124] : memref<8192x128xf32, #tpu.memory_space<hbm>> -> memref<8192x128xf32, #tpu.memory_space<hbm>>
    tpu.wait_indirect_dma semaphore(%arg9 : memref<!tpu.dma_semaphore, #tpu.memory_space<semaphore_mem>>) src(%dma_wait3A_125 : memref<8192x128xf32, #tpu.memory_space<hbm>>) dst(%arg7 : memref<128x128xf32, #tpu.memory_space<vmem>>)
    %add3A_126 = arith.constant 5 : i32
    %add3A_127 = arith.addi %mul3A_6, %add3A_126 : i32
    %mul3A_128 = arith.constant 128 : i32
    %mul3A_129 = arith.muli %add3A_127, %mul3A_128 : i32
    "tpu.region"() ({
      %run_scoped3A = tpu.sem_alloc : memref<!tpu.dma_semaphore, #tpu.memory_space<semaphore_mem>>
      %dma_start3A_130 = arith.constant 0 : i32
      %dma_start3A_131 = tpu.memref_slice %arg4[%mul3A_129, %dma_start3A_130] : memref<24576x128xf32, #tpu.memory_space<hbm>> -> memref<128x128xf32, #tpu.memory_space<hbm>>
      %dma_start3A_132 = arith.constant 0 : i32
      %dma_start3A_133 = tpu.memref_slice %arg4[%mul3A_129, %dma_start3A_132] : memref<24576x128xf32, #tpu.memory_space<hbm>> -> memref<128x128xf32, #tpu.memory_space<hbm>>
      tpu.enqueue_dma source(%arg7 : memref<128x128xf32, #tpu.memory_space<vmem>>) target(%dma_start3A_133 : memref<128x128xf32, #tpu.memory_space<hbm>>) target_semaphore(%run_scoped3A : memref<!tpu.dma_semaphore, #tpu.memory_space<semaphore_mem>>)
      %dma_wait3A_134 = arith.constant 0 : i32
      %dma_wait3A_135 = tpu.memref_slice %arg4[%mul3A_129, %dma_wait3A_134] : memref<24576x128xf32, #tpu.memory_space<hbm>> -> memref<128x128xf32, #tpu.memory_space<hbm>>
      %dma_wait3A_136 = arith.constant 0 : i32
      %dma_wait3A_137 = tpu.memref_slice %arg4[%mul3A_129, %dma_wait3A_136] : memref<24576x128xf32, #tpu.memory_space<hbm>> -> memref<128x128xf32, #tpu.memory_space<hbm>>
      tpu.wait_dma2 semaphore(%run_scoped3A : memref<!tpu.dma_semaphore, #tpu.memory_space<semaphore_mem>>) src(%arg7 : memref<128x128xf32, #tpu.memory_space<vmem>>) dst(%dma_wait3A_137 : memref<128x128xf32, #tpu.memory_space<hbm>>)
      tpu.yield
    }) : () -> ()
    return
  }
}

#map = affine_map<(d0, d1) -> (0, 0)>
module attributes {stable_mosaic.version = 14 : i64} {
  func.func @body(%arg0: i32, %arg1: i32, %arg2: memref<8192x128xf32, #tpu.memory_space<hbm>>, %arg3: memref<272x128xi32, #tpu.memory_space<hbm>>, %arg4: memref<8192x128xf32, #tpu.memory_space<hbm>>, %arg5: memref<16x128xi32, #tpu.memory_space<vmem>>, %arg6: memref<128x128xf32, #tpu.memory_space<vmem>>, %arg7: memref<128x128xf32, #tpu.memory_space<vmem>>, %arg8: memref<!tpu.dma_semaphore, #tpu.memory_space<semaphore_mem>>, %arg9: memref<!tpu.dma_semaphore, #tpu.memory_space<semaphore_mem>>) attributes {dimension_semantics = [#tpu.dimension_semantics<core_parallel>, #tpu.dimension_semantics<subcore_parallel>], iteration_bounds = array<i64: 2, 16>, scalar_prefetch = 0 : i64, scratch_operands = 5 : i64, tpu.core_type = #tpu.core_type<sc_vector_subcore>, window_params = [{transform_indices = #map}, {transform_indices = #map}, {transform_indices = #map}]} {
    %mul3A = arith.constant 2 : i32
    %mul3A_0 = arith.muli %arg1, %mul3A : i32
    %add3A = arith.addi %mul3A_0, %arg0 : i32
    %mul3A_1 = arith.constant 2 : i32
    %mul3A_2 = arith.muli %add3A, %mul3A_1 : i32
    %add3A_3 = arith.constant 0 : i32
    %add3A_4 = arith.addi %add3A_3, %mul3A_2 : i32
    %mul3A_5 = arith.constant 2 : i32
    %mul3A_6 = arith.muli %add3A, %mul3A_5 : i32
    %jit3A = arith.constant 8 : i32
    %div3A = arith.divsi %add3A_4, %jit3A : i32
    %sign3A = arith.constant 0 : i32
    %sign3A_7 = arith.cmpi sgt, %add3A_4, %sign3A : i32
    %sign3A_8 = arith.extui %sign3A_7 : i1 to i32
    %sign3A_9 = arith.constant 0 : i32
    %sign3A_10 = arith.cmpi slt, %add3A_4, %sign3A_9 : i32
    %sign3A_11 = arith.extui %sign3A_10 : i1 to i32
    %sign3A_12 = arith.subi %sign3A_8, %sign3A_11 : i32
    %sign3A_13 = arith.constant 0 : i32
    %sign3A_14 = arith.cmpi sgt, %jit3A, %sign3A_13 : i32
    %sign3A_15 = arith.extui %sign3A_14 : i1 to i32
    %sign3A_16 = arith.constant 0 : i32
    %sign3A_17 = arith.cmpi slt, %jit3A, %sign3A_16 : i32
    %sign3A_18 = arith.extui %sign3A_17 : i1 to i32
    %sign3A_19 = arith.subi %sign3A_15, %sign3A_18 : i32
    %ne3A = arith.cmpi ne, %sign3A_12, %sign3A_19 : i32
    %rem3A = arith.remsi %add3A_4, %jit3A : i32
    %ne3A_20 = arith.constant 0 : i32
    %ne3A_21 = arith.cmpi ne, %rem3A, %ne3A_20 : i32
    %and3A = arith.andi %ne3A, %ne3A_21 : i1
    %sub3A = arith.constant 1 : i32
    %sub3A_22 = arith.subi %div3A, %sub3A : i32
    %select_n3A = arith.select %and3A, %sub3A_22, %div3A : i32
    %mul3A_23 = arith.constant 8 : i32
    %mul3A_24 = arith.muli %select_n3A, %mul3A_23 : i32
    %multiple_of3A = tpu.assume_multiple %mul3A_24, 8 : i32
    %sub3A_25 = arith.subi %add3A_4, %multiple_of3A : i32
    "tpu.region"() ({
      %run_scoped3A = tpu.sem_alloc : memref<!tpu.dma_semaphore, #tpu.memory_space<semaphore_mem>>
      %dma_start3A_58 = arith.constant 0 : i32
      %dma_start3A_59 = tpu.memref_slice %arg3[%multiple_of3A, %dma_start3A_58] : memref<272x128xi32, #tpu.memory_space<hbm>> -> memref<16x128xi32, #tpu.memory_space<hbm>>
      %dma_start3A_60 = arith.constant 0 : i32
      %dma_start3A_61 = tpu.memref_slice %arg3[%multiple_of3A, %dma_start3A_60] : memref<272x128xi32, #tpu.memory_space<hbm>> -> memref<16x128xi32, #tpu.memory_space<hbm>>
      tpu.enqueue_dma source(%dma_start3A_61 : memref<16x128xi32, #tpu.memory_space<hbm>>) target(%arg5 : memref<16x128xi32, #tpu.memory_space<vmem>>) target_semaphore(%run_scoped3A : memref<!tpu.dma_semaphore, #tpu.memory_space<semaphore_mem>>)
      %dma_wait3A_62 = arith.constant 0 : i32
      %dma_wait3A_63 = tpu.memref_slice %arg3[%multiple_of3A, %dma_wait3A_62] : memref<272x128xi32, #tpu.memory_space<hbm>> -> memref<16x128xi32, #tpu.memory_space<hbm>>
      %dma_wait3A_64 = arith.constant 0 : i32
      %dma_wait3A_65 = tpu.memref_slice %arg3[%multiple_of3A, %dma_wait3A_64] : memref<272x128xi32, #tpu.memory_space<hbm>> -> memref<16x128xi32, #tpu.memory_space<hbm>>
      tpu.wait_dma2 semaphore(%run_scoped3A : memref<!tpu.dma_semaphore, #tpu.memory_space<semaphore_mem>>) src(%dma_wait3A_65 : memref<16x128xi32, #tpu.memory_space<hbm>>) dst(%arg5 : memref<16x128xi32, #tpu.memory_space<vmem>>)
      tpu.yield
    }) : () -> ()
    %dma_start3A = arith.constant 0 : i32
    %dma_start3A_26 = tpu.memref_slice %arg5[%sub3A_25, %dma_start3A] : memref<16x128xi32, #tpu.memory_space<vmem>> -> memref<1x128xi32, #tpu.memory_space<vmem>>
    %dma_start3A_27 = tpu.memref_squeeze %dma_start3A_26 : memref<1x128xi32, #tpu.memory_space<vmem>> -> memref<128xi32, #tpu.memory_space<vmem>>
    %dma_start3A_28 = arith.constant 0 : i32
    %dma_start3A_29 = arith.constant 0 : i32
    %dma_start3A_30 = tpu.memref_slice %arg2[%dma_start3A_28, %dma_start3A_29] : memref<8192x128xf32, #tpu.memory_space<hbm>> -> memref<8192x128xf32, #tpu.memory_space<hbm>>
    tpu.enqueue_indirect_dma source(%dma_start3A_30 : memref<8192x128xf32, #tpu.memory_space<hbm>>) target(%arg6 : memref<128x128xf32, #tpu.memory_space<vmem>>) offsets(%dma_start3A_27 : memref<128xi32, #tpu.memory_space<vmem>>) semaphore(%arg8 : memref<!tpu.dma_semaphore, #tpu.memory_space<semaphore_mem>>)
    %add3A_31 = arith.constant 1 : i32
    %add3A_32 = arith.addi %sub3A_25, %add3A_31 : i32
    %dma_start3A_33 = arith.constant 0 : i32
    %dma_start3A_34 = tpu.memref_slice %arg5[%add3A_32, %dma_start3A_33] : memref<16x128xi32, #tpu.memory_space<vmem>> -> memref<1x128xi32, #tpu.memory_space<vmem>>
    %dma_start3A_35 = tpu.memref_squeeze %dma_start3A_34 : memref<1x128xi32, #tpu.memory_space<vmem>> -> memref<128xi32, #tpu.memory_space<vmem>>
    %dma_start3A_36 = arith.constant 0 : i32
    %dma_start3A_37 = arith.constant 0 : i32
    %dma_start3A_38 = tpu.memref_slice %arg2[%dma_start3A_36, %dma_start3A_37] : memref<8192x128xf32, #tpu.memory_space<hbm>> -> memref<8192x128xf32, #tpu.memory_space<hbm>>
    tpu.enqueue_indirect_dma source(%dma_start3A_38 : memref<8192x128xf32, #tpu.memory_space<hbm>>) target(%arg7 : memref<128x128xf32, #tpu.memory_space<vmem>>) offsets(%dma_start3A_35 : memref<128xi32, #tpu.memory_space<vmem>>) semaphore(%arg9 : memref<!tpu.dma_semaphore, #tpu.memory_space<semaphore_mem>>)
    %dma_wait3A = arith.constant 0 : i32
    %dma_wait3A_39 = tpu.memref_slice %arg5[%sub3A_25, %dma_wait3A] : memref<16x128xi32, #tpu.memory_space<vmem>> -> memref<1x128xi32, #tpu.memory_space<vmem>>
    %dma_wait3A_40 = tpu.memref_squeeze %dma_wait3A_39 : memref<1x128xi32, #tpu.memory_space<vmem>> -> memref<128xi32, #tpu.memory_space<vmem>>
    %dma_wait3A_41 = arith.constant 0 : i32
    %dma_wait3A_42 = arith.constant 0 : i32
    %dma_wait3A_43 = tpu.memref_slice %arg2[%dma_wait3A_41, %dma_wait3A_42] : memref<8192x128xf32, #tpu.memory_space<hbm>> -> memref<8192x128xf32, #tpu.memory_space<hbm>>
    tpu.wait_indirect_dma semaphore(%arg8 : memref<!tpu.dma_semaphore, #tpu.memory_space<semaphore_mem>>) src(%dma_wait3A_43 : memref<8192x128xf32, #tpu.memory_space<hbm>>) dst(%arg6 : memref<128x128xf32, #tpu.memory_space<vmem>>)
    %add3A_44 = arith.constant 0 : i32
    %add3A_45 = arith.addi %mul3A_6, %add3A_44 : i32
    %mul3A_46 = arith.constant 128 : i32
    %mul3A_47 = arith.muli %add3A_45, %mul3A_46 : i32
    "tpu.region"() ({
      %run_scoped3A = tpu.sem_alloc : memref<!tpu.dma_semaphore, #tpu.memory_space<semaphore_mem>>
      %dma_start3A_58 = arith.constant 0 : i32
      %dma_start3A_59 = tpu.memref_slice %arg4[%mul3A_47, %dma_start3A_58] : memref<8192x128xf32, #tpu.memory_space<hbm>> -> memref<128x128xf32, #tpu.memory_space<hbm>>
      %dma_start3A_60 = arith.constant 0 : i32
      %dma_start3A_61 = tpu.memref_slice %arg4[%mul3A_47, %dma_start3A_60] : memref<8192x128xf32, #tpu.memory_space<hbm>> -> memref<128x128xf32, #tpu.memory_space<hbm>>
      tpu.enqueue_dma source(%arg6 : memref<128x128xf32, #tpu.memory_space<vmem>>) target(%dma_start3A_61 : memref<128x128xf32, #tpu.memory_space<hbm>>) target_semaphore(%run_scoped3A : memref<!tpu.dma_semaphore, #tpu.memory_space<semaphore_mem>>)
      %dma_wait3A_62 = arith.constant 0 : i32
      %dma_wait3A_63 = tpu.memref_slice %arg4[%mul3A_47, %dma_wait3A_62] : memref<8192x128xf32, #tpu.memory_space<hbm>> -> memref<128x128xf32, #tpu.memory_space<hbm>>
      %dma_wait3A_64 = arith.constant 0 : i32
      %dma_wait3A_65 = tpu.memref_slice %arg4[%mul3A_47, %dma_wait3A_64] : memref<8192x128xf32, #tpu.memory_space<hbm>> -> memref<128x128xf32, #tpu.memory_space<hbm>>
      tpu.wait_dma2 semaphore(%run_scoped3A : memref<!tpu.dma_semaphore, #tpu.memory_space<semaphore_mem>>) src(%arg6 : memref<128x128xf32, #tpu.memory_space<vmem>>) dst(%dma_wait3A_65 : memref<128x128xf32, #tpu.memory_space<hbm>>)
      tpu.yield
    }) : () -> ()
    %dma_wait3A_48 = arith.constant 0 : i32
    %dma_wait3A_49 = tpu.memref_slice %arg5[%add3A_32, %dma_wait3A_48] : memref<16x128xi32, #tpu.memory_space<vmem>> -> memref<1x128xi32, #tpu.memory_space<vmem>>
    %dma_wait3A_50 = tpu.memref_squeeze %dma_wait3A_49 : memref<1x128xi32, #tpu.memory_space<vmem>> -> memref<128xi32, #tpu.memory_space<vmem>>
    %dma_wait3A_51 = arith.constant 0 : i32
    %dma_wait3A_52 = arith.constant 0 : i32
    %dma_wait3A_53 = tpu.memref_slice %arg2[%dma_wait3A_51, %dma_wait3A_52] : memref<8192x128xf32, #tpu.memory_space<hbm>> -> memref<8192x128xf32, #tpu.memory_space<hbm>>
    tpu.wait_indirect_dma semaphore(%arg9 : memref<!tpu.dma_semaphore, #tpu.memory_space<semaphore_mem>>) src(%dma_wait3A_53 : memref<8192x128xf32, #tpu.memory_space<hbm>>) dst(%arg7 : memref<128x128xf32, #tpu.memory_space<vmem>>)
    %add3A_54 = arith.constant 1 : i32
    %add3A_55 = arith.addi %mul3A_6, %add3A_54 : i32
    %mul3A_56 = arith.constant 128 : i32
    %mul3A_57 = arith.muli %add3A_55, %mul3A_56 : i32
    "tpu.region"() ({
      %run_scoped3A = tpu.sem_alloc : memref<!tpu.dma_semaphore, #tpu.memory_space<semaphore_mem>>
      %dma_start3A_58 = arith.constant 0 : i32
      %dma_start3A_59 = tpu.memref_slice %arg4[%mul3A_57, %dma_start3A_58] : memref<8192x128xf32, #tpu.memory_space<hbm>> -> memref<128x128xf32, #tpu.memory_space<hbm>>
      %dma_start3A_60 = arith.constant 0 : i32
      %dma_start3A_61 = tpu.memref_slice %arg4[%mul3A_57, %dma_start3A_60] : memref<8192x128xf32, #tpu.memory_space<hbm>> -> memref<128x128xf32, #tpu.memory_space<hbm>>
      tpu.enqueue_dma source(%arg7 : memref<128x128xf32, #tpu.memory_space<vmem>>) target(%dma_start3A_61 : memref<128x128xf32, #tpu.memory_space<hbm>>) target_semaphore(%run_scoped3A : memref<!tpu.dma_semaphore, #tpu.memory_space<semaphore_mem>>)
      %dma_wait3A_62 = arith.constant 0 : i32
      %dma_wait3A_63 = tpu.memref_slice %arg4[%mul3A_57, %dma_wait3A_62] : memref<8192x128xf32, #tpu.memory_space<hbm>> -> memref<128x128xf32, #tpu.memory_space<hbm>>
      %dma_wait3A_64 = arith.constant 0 : i32
      %dma_wait3A_65 = tpu.memref_slice %arg4[%mul3A_57, %dma_wait3A_64] : memref<8192x128xf32, #tpu.memory_space<hbm>> -> memref<128x128xf32, #tpu.memory_space<hbm>>
      tpu.wait_dma2 semaphore(%run_scoped3A : memref<!tpu.dma_semaphore, #tpu.memory_space<semaphore_mem>>) src(%arg7 : memref<128x128xf32, #tpu.memory_space<vmem>>) dst(%dma_wait3A_65 : memref<128x128xf32, #tpu.memory_space<hbm>>)
      tpu.yield
    }) : () -> ()
    return
  }
}

module attributes {stable_mosaic.version = 14 : i64} {
  func.func @_add_body_inplace(%arg0: i32, %arg1: memref<32768x2048xf32, #tpu.memory_space<hbm>>, %arg2: memref<1024x2048xf32, #tpu.memory_space<vmem>>, %arg3: memref<1024x128xf32, #tpu.memory_space<vmem>>, %arg4: memref<1024x2048xf32, #tpu.memory_space<vmem>>) attributes {dimension_semantics = [#tpu.dimension_semantics<arbitrary>], iteration_bounds = array<i64: 24>, scalar_prefetch = 0 : i64, scratch_operands = 0 : i64, tpu.core_type = #tpu.core_type<tc>, window_params = [{}, {transform_indices = @transform_1, window_bounds = array<i64: 1024, 2048>}, {transform_indices = @transform_2, window_bounds = array<i64: 1024, 128>}, {transform_indices = @transform_3, window_bounds = array<i64: 1024, 2048>}]} {
    %get3A = arith.constant 0 : index
    %get3A_0 = arith.constant 0 : index
    %get3A_1 = vector.load %arg3[%get3A, %get3A_0] : memref<1024x128xf32, #tpu.memory_space<vmem>>, vector<1024x128xf32>
    %get3A_2 = arith.constant 0 : index
    %get3A_3 = arith.constant 0 : index
    %get3A_4 = vector.load %arg2[%get3A_2, %get3A_3] : memref<1024x2048xf32, #tpu.memory_space<vmem>>, vector<1024x2048xf32>
    %concatenate3A = tpu.concatenate %get3A_1, %get3A_1, %get3A_1, %get3A_1, %get3A_1, %get3A_1, %get3A_1, %get3A_1, %get3A_1, %get3A_1, %get3A_1, %get3A_1, %get3A_1, %get3A_1, %get3A_1, %get3A_1 in 1 : vector<1024x128xf32>, vector<1024x128xf32>, vector<1024x128xf32>, vector<1024x128xf32>, vector<1024x128xf32>, vector<1024x128xf32>, vector<1024x128xf32>, vector<1024x128xf32>, vector<1024x128xf32>, vector<1024x128xf32>, vector<1024x128xf32>, vector<1024x128xf32>, vector<1024x128xf32>, vector<1024x128xf32>, vector<1024x128xf32>, vector<1024x128xf32> -> vector<1024x2048xf32>
    %add3A = arith.addf %get3A_4, %concatenate3A : vector<1024x2048xf32>
    %swap3A = arith.constant 0 : index
    %swap3A_5 = arith.constant 0 : index
    %swap3A_6 = vector.load %arg4[%swap3A, %swap3A_5] : memref<1024x2048xf32, #tpu.memory_space<vmem>>, vector<1024x2048xf32>
    tpu.vector_store %arg4[%swap3A, %swap3A_5], %add3A {strides = array<i32>} : memref<1024x2048xf32, #tpu.memory_space<vmem>>, vector<1024x2048xf32>,
    return
  }
  func.func @transform_1(%arg0: i32) -> (i32, i32) {
    %add3A = arith.constant 8 : i32
    %add3A_0 = arith.addi %arg0, %add3A : i32
    %c0_i32 = arith.constant 0 : i32
    %c0_i32_1 = arith.constant 0 : i32
    return %add3A_0, %c0_i32 : i32, i32
  }
  func.func @transform_2(%arg0: i32) -> (i32, i32) {
    %c0_i32 = arith.constant 0 : i32
    %c0_i32_0 = arith.constant 0 : i32
    return %arg0, %c0_i32 : i32, i32
  }
  func.func @transform_3(%arg0: i32) -> (i32, i32) {
    %add3A = arith.constant 8 : i32
    %add3A_0 = arith.addi %arg0, %add3A : i32
    %c0_i32 = arith.constant 0 : i32
    %c0_i32_1 = arith.constant 0 : i32
    return %add3A_0, %c0_i32 : i32, i32
  }
}

module attributes {stable_mosaic.version = 14 : i64} {
  func.func @_prep_body(%arg0: i32, %arg1: memref<1x1024x3xi32, #tpu.memory_space<vmem>>, %arg2: memref<16x128xf32, #tpu.memory_space<vmem>>, %arg3: memref<256x128xf32, #tpu.memory_space<vmem>>, %arg4: memref<8x128xi32, #tpu.memory_space<vmem>>, %arg5: memref<256x128xf32, #tpu.memory_space<vmem>>) attributes {dimension_semantics = [#tpu.dimension_semantics<arbitrary>], iteration_bounds = array<i64: 32>, scalar_prefetch = 0 : i64, scratch_operands = 0 : i64, tpu.core_type = #tpu.core_type<tc>, window_params = [{transform_indices = @transform_0, window_bounds = array<i64: 1, 1024, 3>}, {pipeline_mode = #tpu.pipeline_mode<synchronous>, transform_indices = @transform_1, window_bounds = array<i64: 16, 128>}, {transform_indices = @transform_2, window_bounds = array<i64: 256, 128>}, {transform_indices = @transform_3, window_bounds = array<i64: 8, 128>}, {transform_indices = @transform_4, window_bounds = array<i64: 256, 128>}]} {
    %get3A = arith.constant 0 : index
    %get3A_0 = arith.constant 0 : index
    %get3A_1 = arith.constant 0 : index
    %get3A_2 = vector.load %arg1[%get3A, %get3A_0, %get3A_1] : memref<1x1024x3xi32, #tpu.memory_space<vmem>>, vector<1x1024x3xi32>
    %slice3A = vector.extract_strided_slice %get3A_2 {offsets = [0, 0, 0], sizes = [1, 1024, 1], strides = [1, 1, 1]} : vector<1x1024x3xi32> to vector<1x1024x1xi32>
    %squeeze3A = vector.shape_cast %slice3A : vector<1x1024x1xi32> to vector<1024xi32>
    %jit3A = arith.constant 0 : i32
    %jit3A_3 = arith.constant 15 : i32
    %max3A = vector.broadcast %jit3A : i32 to vector<1024xi32>
    %max3A_4 = arith.maxsi %max3A, %squeeze3A : vector<1024xi32>
    %min3A = vector.broadcast %jit3A_3 : i32 to vector<1024xi32>
    %min3A_5 = arith.minsi %min3A, %max3A_4 : vector<1024xi32>
    %slice3A_6 = vector.extract_strided_slice %get3A_2 {offsets = [0, 0, 1], sizes = [1, 1024, 1], strides = [1, 1, 1]} : vector<1x1024x3xi32> to vector<1x1024x1xi32>
    %squeeze3A_7 = vector.shape_cast %slice3A_6 : vector<1x1024x1xi32> to vector<1024xi32>
    %jit3A_8 = arith.constant 0 : i32
    %jit3A_9 = arith.constant 511 : i32
    %max3A_10 = vector.broadcast %jit3A_8 : i32 to vector<1024xi32>
    %max3A_11 = arith.maxsi %max3A_10, %squeeze3A_7 : vector<1024xi32>
    %min3A_12 = vector.broadcast %jit3A_9 : i32 to vector<1024xi32>
    %min3A_13 = arith.minsi %min3A_12, %max3A_11 : vector<1024xi32>
    %mul3A = arith.constant 512 : i32
    %mul3A_14 = vector.broadcast %mul3A : i32 to vector<1024xi32>
    %mul3A_15 = arith.muli %min3A_5, %mul3A_14 : vector<1024xi32>
    %add3A = arith.addi %mul3A_15, %min3A_13 : vector<1024xi32>
    %reshape3A = vector.shape_cast %add3A : vector<1024xi32> to vector<8x128xi32>
    %swap3A = arith.constant 0 : index
    %swap3A_16 = arith.constant 0 : index
    %swap3A_17 = vector.load %arg4[%swap3A, %swap3A_16] : memref<8x128xi32, #tpu.memory_space<vmem>>, vector<8x128xi32>
    tpu.vector_store %arg4[%swap3A, %swap3A_16], %reshape3A {strides = array<i32>} : memref<8x128xi32, #tpu.memory_space<vmem>>, vector<8x128xi32>,
    %jit3A_18 = arith.constant 2 : i32
    %div3A = arith.divsi %arg0, %jit3A_18 : i32
    %sign3A = arith.constant 0 : i32
    %sign3A_19 = arith.cmpi sgt, %arg0, %sign3A : i32
    %sign3A_20 = arith.extui %sign3A_19 : i1 to i32
    %sign3A_21 = arith.constant 0 : i32
    %sign3A_22 = arith.cmpi slt, %arg0, %sign3A_21 : i32
    %sign3A_23 = arith.extui %sign3A_22 : i1 to i32
    %sign3A_24 = arith.subi %sign3A_20, %sign3A_23 : i32
    %sign3A_25 = arith.constant 0 : i32
    %sign3A_26 = arith.cmpi sgt, %jit3A_18, %sign3A_25 : i32
    %sign3A_27 = arith.extui %sign3A_26 : i1 to i32
    %sign3A_28 = arith.constant 0 : i32
    %sign3A_29 = arith.cmpi slt, %jit3A_18, %sign3A_28 : i32
    %sign3A_30 = arith.extui %sign3A_29 : i1 to i32
    %sign3A_31 = arith.subi %sign3A_27, %sign3A_30 : i32
    %ne3A = arith.cmpi ne, %sign3A_24, %sign3A_31 : i32
    %rem3A = arith.remsi %arg0, %jit3A_18 : i32
    %ne3A_32 = arith.constant 0 : i32
    %ne3A_33 = arith.cmpi ne, %rem3A, %ne3A_32 : i32
    %and3A = arith.andi %ne3A, %ne3A_33 : i1
    %sub3A = arith.constant 1 : i32
    %sub3A_34 = arith.subi %div3A, %sub3A : i32
    %select_n3A = arith.select %and3A, %sub3A_34, %div3A : i32
    %get3A_35 = arith.index_cast %select_n3A : i32 to index
    %get3A_36 = arith.constant 0 : index
    %get3A_37 = vector.load %arg2[%get3A_35, %get3A_36] : memref<16x128xf32, #tpu.memory_space<vmem>>, vector<1x128xf32>
    %get3A_38 = vector.shape_cast %get3A_37 : vector<1x128xf32> to vector<128xf32>
    %get3A_39 = arith.constant 0 : index
    %get3A_40 = arith.constant 0 : index
    %get3A_41 = vector.load %arg3[%get3A_39, %get3A_40] : memref<256x128xf32, #tpu.memory_space<vmem>>, vector<256x128xf32>
    %broadcast_in_dim3A = vector.shape_cast %get3A_38 : vector<128xf32> to vector<1x128xf32>
    %add3A_42 = vector.broadcast %broadcast_in_dim3A : vector<1x128xf32> to vector<256x128xf32>
    %add3A_43 = arith.addf %get3A_41, %add3A_42 : vector<256x128xf32>
    %swap3A_44 = arith.constant 0 : index
    %swap3A_45 = arith.constant 0 : index
    %swap3A_46 = vector.load %arg5[%swap3A_44, %swap3A_45] : memref<256x128xf32, #tpu.memory_space<vmem>>, vector<256x128xf32>
    tpu.vector_store %arg5[%swap3A_44, %swap3A_45], %add3A_43 {strides = array<i32>} : memref<256x128xf32, #tpu.memory_space<vmem>>, vector<256x128xf32>,
    return
  }
  func.func @transform_0(%arg0: i32) -> (i32, i32, i32) {
    %jit3A = arith.constant 8 : i32
    %div3A = arith.divsi %arg0, %jit3A : i32
    %sign3A = arith.constant 0 : i32
    %sign3A_0 = arith.cmpi sgt, %arg0, %sign3A : i32
    %sign3A_1 = arith.extui %sign3A_0 : i1 to i32
    %sign3A_2 = arith.constant 0 : i32
    %sign3A_3 = arith.cmpi slt, %arg0, %sign3A_2 : i32
    %sign3A_4 = arith.extui %sign3A_3 : i1 to i32
    %sign3A_5 = arith.subi %sign3A_1, %sign3A_4 : i32
    %sign3A_6 = arith.constant 0 : i32
    %sign3A_7 = arith.cmpi sgt, %jit3A, %sign3A_6 : i32
    %sign3A_8 = arith.extui %sign3A_7 : i1 to i32
    %sign3A_9 = arith.constant 0 : i32
    %sign3A_10 = arith.cmpi slt, %jit3A, %sign3A_9 : i32
    %sign3A_11 = arith.extui %sign3A_10 : i1 to i32
    %sign3A_12 = arith.subi %sign3A_8, %sign3A_11 : i32
    %ne3A = arith.cmpi ne, %sign3A_5, %sign3A_12 : i32
    %rem3A = arith.remsi %arg0, %jit3A : i32
    %ne3A_13 = arith.constant 0 : i32
    %ne3A_14 = arith.cmpi ne, %rem3A, %ne3A_13 : i32
    %and3A = arith.andi %ne3A, %ne3A_14 : i1
    %sub3A = arith.constant 1 : i32
    %sub3A_15 = arith.subi %div3A, %sub3A : i32
    %select_n3A = arith.select %and3A, %sub3A_15, %div3A : i32
    %jit3A_16 = arith.constant 8 : i32
    %eq3A = arith.constant 0 : i32
    %eq3A_17 = arith.cmpi eq, %jit3A_16, %eq3A : i32
    %jit3A_18 = arith.constant 1 : i32
    %select_n3A_19 = arith.select %eq3A_17, %jit3A_18, %jit3A_16 : i32
    %rem3A_20 = arith.remsi %arg0, %select_n3A_19 : i32
    %ne3A_21 = arith.constant 0 : i32
    %ne3A_22 = arith.cmpi ne, %rem3A_20, %ne3A_21 : i32
    %lt3A = arith.constant 0 : i32
    %lt3A_23 = arith.cmpi slt, %rem3A_20, %lt3A : i32
    %lt3A_24 = arith.constant 0 : i32
    %lt3A_25 = arith.cmpi slt, %select_n3A_19, %lt3A_24 : i32
    %ne3A_26 = arith.xori %lt3A_23, %lt3A_25 : i1
    %and3A_27 = arith.andi %ne3A_26, %ne3A_22 : i1
    %add3A = arith.addi %rem3A_20, %select_n3A_19 : i32
    %select_n3A_28 = arith.select %and3A_27, %add3A, %rem3A_20 : i32
    %c0_i32 = arith.constant 0 : i32
    %c0_i32_29 = arith.constant 0 : i32
    return %select_n3A, %select_n3A_28, %c0_i32 : i32, i32, i32
  }
  func.func @transform_1(%arg0: i32) -> (i32, i32) {
    %c0_i32 = arith.constant 0 : i32
    %c0_i32_0 = arith.constant 0 : i32
    %c0_i32_1 = arith.constant 0 : i32
    return %c0_i32, %c0_i32_0 : i32, i32
  }
  func.func @transform_2(%arg0: i32) -> (i32, i32) {
    %jit3A = arith.constant 2 : i32
    %eq3A = arith.constant 0 : i32
    %eq3A_0 = arith.cmpi eq, %jit3A, %eq3A : i32
    %jit3A_1 = arith.constant 1 : i32
    %select_n3A = arith.select %eq3A_0, %jit3A_1, %jit3A : i32
    %rem3A = arith.remsi %arg0, %select_n3A : i32
    %ne3A = arith.constant 0 : i32
    %ne3A_2 = arith.cmpi ne, %rem3A, %ne3A : i32
    %lt3A = arith.constant 0 : i32
    %lt3A_3 = arith.cmpi slt, %rem3A, %lt3A : i32
    %lt3A_4 = arith.constant 0 : i32
    %lt3A_5 = arith.cmpi slt, %select_n3A, %lt3A_4 : i32
    %ne3A_6 = arith.xori %lt3A_3, %lt3A_5 : i1
    %and3A = arith.andi %ne3A_6, %ne3A_2 : i1
    %add3A = arith.addi %rem3A, %select_n3A : i32
    %select_n3A_7 = arith.select %and3A, %add3A, %rem3A : i32
    %c0_i32 = arith.constant 0 : i32
    %c0_i32_8 = arith.constant 0 : i32
    return %select_n3A_7, %c0_i32 : i32, i32
  }
  func.func @transform_3(%arg0: i32) -> (i32, i32) {
    %c0_i32 = arith.constant 0 : i32
    %c0_i32_0 = arith.constant 0 : i32
    return %arg0, %c0_i32 : i32, i32
  }
  func.func @transform_4(%arg0: i32) -> (i32, i32) {
    %c0_i32 = arith.constant 0 : i32
    %c0_i32_0 = arith.constant 0 : i32
    return %arg0, %c0_i32 : i32, i32
  }
}

module attributes {stable_mosaic.version = 14 : i64} {
  func.func @_add_body(%arg0: i32, %arg1: memref<1024x2048xf32, #tpu.memory_space<vmem>>, %arg2: memref<1024x128xf32, #tpu.memory_space<vmem>>, %arg3: memref<1024x2048xf32, #tpu.memory_space<vmem>>) attributes {dimension_semantics = [#tpu.dimension_semantics<arbitrary>], iteration_bounds = array<i64: 8>, scalar_prefetch = 0 : i64, scratch_operands = 0 : i64, tpu.core_type = #tpu.core_type<tc>, window_params = [{transform_indices = @transform_0, window_bounds = array<i64: 1024, 2048>}, {transform_indices = @transform_1, window_bounds = array<i64: 1024, 128>}, {transform_indices = @transform_2, window_bounds = array<i64: 1024, 2048>}]} {
    %get3A = arith.constant 0 : index
    %get3A_0 = arith.constant 0 : index
    %get3A_1 = vector.load %arg2[%get3A, %get3A_0] : memref<1024x128xf32, #tpu.memory_space<vmem>>, vector<1024x128xf32>
    %get3A_2 = arith.constant 0 : index
    %get3A_3 = arith.constant 0 : index
    %get3A_4 = vector.load %arg1[%get3A_2, %get3A_3] : memref<1024x2048xf32, #tpu.memory_space<vmem>>, vector<1024x2048xf32>
    %concatenate3A = tpu.concatenate %get3A_1, %get3A_1, %get3A_1, %get3A_1, %get3A_1, %get3A_1, %get3A_1, %get3A_1, %get3A_1, %get3A_1, %get3A_1, %get3A_1, %get3A_1, %get3A_1, %get3A_1, %get3A_1 in 1 : vector<1024x128xf32>, vector<1024x128xf32>, vector<1024x128xf32>, vector<1024x128xf32>, vector<1024x128xf32>, vector<1024x128xf32>, vector<1024x128xf32>, vector<1024x128xf32>, vector<1024x128xf32>, vector<1024x128xf32>, vector<1024x128xf32>, vector<1024x128xf32>, vector<1024x128xf32>, vector<1024x128xf32>, vector<1024x128xf32>, vector<1024x128xf32> -> vector<1024x2048xf32>
    %add3A = arith.addf %get3A_4, %concatenate3A : vector<1024x2048xf32>
    %swap3A = arith.constant 0 : index
    %swap3A_5 = arith.constant 0 : index
    %swap3A_6 = vector.load %arg3[%swap3A, %swap3A_5] : memref<1024x2048xf32, #tpu.memory_space<vmem>>, vector<1024x2048xf32>
    tpu.vector_store %arg3[%swap3A, %swap3A_5], %add3A {strides = array<i32>} : memref<1024x2048xf32, #tpu.memory_space<vmem>>, vector<1024x2048xf32>,
    return
  }
  func.func @transform_0(%arg0: i32) -> (i32, i32) {
    %c0_i32 = arith.constant 0 : i32
    %c0_i32_0 = arith.constant 0 : i32
    return %arg0, %c0_i32 : i32, i32
  }
  func.func @transform_1(%arg0: i32) -> (i32, i32) {
    %c0_i32 = arith.constant 0 : i32
    %c0_i32_0 = arith.constant 0 : i32
    return %arg0, %c0_i32 : i32, i32
  }
  func.func @transform_2(%arg0: i32) -> (i32, i32) {
    %c0_i32 = arith.constant 0 : i32
    %c0_i32_0 = arith.constant 0 : i32
    return %arg0, %c0_i32 : i32, i32
  }
}

</mosaic_0001>

<sc_bundles>
// kernel: kernel.10.cloned.1.call-start
scs
__scs_entry_jumppad:
0x0: {  	(pc) =	sbr.rel $0x88, $3  }
0x1: {  	(tag) =	ssettag $0x0;
	lr =	simm.s32 $0x1  }
0x2: {  	[smem:$0x3F9D] =	sst lr;
	_ =	strace $0xD0000000  }
0x3: {  	_ = 	snop  }
0x4: {  	_ = 	snop  }
0x5: {  	_ = 	snop  }
0x6: {  	_ = 	snop  }
0x7: {  	_ = 	snop  }
__scs_overlays_trampoline_lowered:
0x8: {  	[smem:$0x3FAC] =	sst s0  }
0x9: {  	[smem:$0x3FAD] =	sst s1  }
0xa: {  	[smem:$0x3FAE] =	sst s2  }
0xb: {  	[smem:$0x3FAF] =	sst s3  }
0xc: {  	[smem:$0x3FB0] =	sst s4  }
0xd: {  	[smem:$0x3FB1] =	sst s5  }
0xe: {  	[smem:$0x3FB2] =	sst s6  }
0xf: {  	[smem:$0x3FB3] =	sst s7  }
0x10: {  	[smem:$0x3FB4] =	sst s8  }
0x11: {  	[smem:$0x3FB5] =	sst s9;
	s0 =	simm.s32 @!p0 $0x0  }
0x12: {  	s1 =	sld [smem:$0x3F9B];
	s0 =	simm.s32 @p0 $0x1  }
0x13: {  	[smem:$0x3FB6] =	sst s0;
	s0 =	simm.s32 @!p1 $0x0  }
0x14: {  	s2 =	sld [smem:$0x3F9A];
	s0 =	simm.s32 @p1 $0x1  }
0x15: {  	[smem:$0x3FB7] =	sst s0;
	s0 =	simm.s32 @!p2 $0x0  }
0x16: {  	s3 =	sld [smem:$0x3FDB];
	s0 =	simm.s32 @p2 $0x1  }
0x17: {  	s4 =	simm.s32 $0x1BF5;
	[smem:$0x3FB9] =	sst s0  }
0x18: {  	s0 =	sld [smem:$0x3F9C];
	_ =	swait.ge [sflag:s4], $0x0  }
0x19: {  	s7 =	sld [smem:$0x3F9D]  }
0x1a: {  	s8 =	sadd.s32 $0xFFFFE003, lr  }
0x1b: {  	s9 =	sadd.s32 $0xFFFFFEF7, lr;
	s5 =	simm.s32 $0xFFFFFFFF;
	p2 =	slt.u32 s8, $0xFFFFF086  }
0x1c: {  	p1 =	slt.u32 s9, $0xF7A;
	s5 =	simm.s32 @!p2 $0x0  }
0x1d: {  	s5 =	simm.s32 @p1 $0x1;
	p0 =	seq.s32 s7, s2  }
0x1e: {  	s7 =	smul.u32 @!p0 $0xF7A, s2;
	p2 =	seq.s32 @!p0 s5, $0x0  }
0x1f: {  	s9 =	smul.u32 $0xF7A, s1;
	s8 =	simm.s32 @!p0 $0x1BF5;
	p2 =	por !p2, p0  }
0x20: {  	[sflag:s8] =	ssyncset.s32 @!p0 $0xFFFFF086;
	s6 =	sadd.s32 @!p0 s3, s7;
	s7 =	simm.s32 @!p0 $0x108  }
0x21: {  	s3 =	sadd.s32 s3, s9;
	s6 =	sadd.s32 @!p0 $0x88, s6;
	s7 =	simm.s32 @p2 $0x1082  }
0x22: {  	[simem:s7], [sflag:s8] =	dma.local @!p0 [hbm:s6], $0xF7A  }
0x23: {  	s9 =	sor.u32 $0xD0000000, s2;
	s6 =	simm.s32 $0x108;
	_ =	swait.ge @!p0 [sflag:s8], $0x0  }
0x24: {  	s3 =	sadd.s32 $0x88, s3;
	s6 =	simm.s32 @!p1 $0x1082;
	[sflag:s4] =	ssyncset.s32 $0xFFFFF086  }
0x25: {  	[simem:s6], [sflag:s4] =	dma.local [hbm:s3], $0xF7A  }
0x26: {  	[smem:$0x3F9D] =	sst s1;
	(tag) =	ssettag s2;
	_ =	strace s9  }
0x27: {  	s1 =	sld [smem:$0x3FAD]  }
0x28: {  	s2 =	sld [smem:$0x3FAE]  }
0x29: {  	s4 =	sld [smem:$0x3FB0]  }
0x2a: {  	p0 =	seq.s32 s5, $0x0;
	s5 =	sld [smem:$0x3FB1]  }
0x2b: {  	s6 =	sld [smem:$0x3FB2]  }
0x2c: {  	s7 =	sld [smem:$0x3FB3]  }
0x2d: {  	s3 =	simm.s32 $0x108;
	s8 =	sld [smem:$0x3FB4]  }
0x2e: {  	s3 =	simm.s32 @!p0 $0x1082;
	s9 =	sld [smem:$0x3FB5]  }
0x2f: {  	lr =	sadd.s32 s0, s3;
	s0 =	sld [smem:$0x3FAC]  }
0x30: {  	s3 =	sld [smem:$0x3FAF]  }
0x31: {  	[smem:$0x3FB8] =	sst s10  }
0x32: {  	s10 =	sld [smem:$0x3FB6];
	_ =	sdelay $0x3  }
0x33: {  	p0 =	seq.s32 s10, $0x1;
	s10 =	sld [smem:$0x3FB8];
	_ =	sdelay $0x3  }
0x34: {  	[smem:$0x3FB8] =	sst s10  }
0x35: {  	s10 =	sld [smem:$0x3FB7];
	_ =	sdelay $0x3  }
0x36: {  	p1 =	seq.s32 s10, $0x1;
	s10 =	sld [smem:$0x3FB8];
	_ =	sdelay $0x3  }
0x37: {  	[smem:$0x3FB8] =	sst s10  }
0x38: {  	s10 =	sld [smem:$0x3FB9]  }
0x39: {  	_ = 	snop;
	(pc) =	sbr.ind lr, $3  }
0x3a: {  	_ = 	snop  }
0x3b: {  	_ = 	snop  }
0x3c: {  	p2 =	seq.s32 s10, $0x1;
	s10 =	sld [smem:$0x3FB8]  }
0x3d: {  	_ =	shalt  }
0x3e: {  	_ =	shalt  }
0x3f: {  	_ =	shalt  }
0x40: {  	_ =	shalt  }
0x41: {  	_ =	shalt  }
0x42: {  	_ =	shalt  }
0x43: {  	_ =	shalt  }
0x44: {  	_ =	shalt  }
0x45: {  	_ =	shalt  }
0x46: {  	_ =	shalt  }
0x47: {  	_ =	shalt  }
0x48: {  	_ =	shalt  }
0x49: {  	_ =	shalt  }
0x4a: {  	_ =	shalt  }
0x4b: {  	_ =	shalt  }
0x4c: {  	_ =	shalt  }
0x4d: {  	_ =	shalt  }
0x4e: {  	_ =	shalt  }
0x4f: {  	_ =	shalt  }
0x50: {  	_ =	shalt  }
0x51: {  	_ =	shalt  }
0x52: {  	_ =	shalt  }
0x53: {  	_ =	shalt  }
0x54: {  	_ =	shalt  }
0x55: {  	_ =	shalt  }
0x56: {  	_ =	shalt  }
0x57: {  	_ =	shalt  }
0x58: {  	_ =	shalt  }
0x59: {  	_ =	shalt  }
0x5a: {  	_ =	shalt  }
0x5b: {  	_ =	shalt  }
0x5c: {  	_ =	shalt  }
0x5d: {  	_ =	shalt  }
0x5e: {  	_ =	shalt  }
0x5f: {  	_ =	shalt  }
0x60: {  	_ =	shalt  }
0x61: {  	_ =	shalt  }
0x62: {  	_ =	shalt  }
0x63: {  	_ =	shalt  }
0x64: {  	_ =	shalt  }
0x65: {  	_ =	shalt  }
0x66: {  	_ =	shalt  }
0x67: {  	_ =	shalt  }
0x68: {  	_ =	shalt  }
0x69: {  	_ =	shalt  }
0x6a: {  	_ =	shalt  }
0x6b: {  	_ =	shalt  }
0x6c: {  	_ =	shalt  }
0x6d: {  	_ =	shalt  }
0x6e: {  	_ =	shalt  }
0x6f: {  	_ =	shalt  }
0x70: {  	_ =	shalt  }
0x71: {  	_ =	shalt  }
0x72: {  	_ =	shalt  }
0x73: {  	_ =	shalt  }
0x74: {  	_ =	shalt  }
0x75: {  	_ =	shalt  }
0x76: {  	_ =	shalt  }
0x77: {  	_ =	shalt  }
0x78: {  	_ =	shalt  }
0x79: {  	_ =	shalt  }
0x7a: {  	_ =	shalt  }
0x7b: {  	_ =	shalt  }
0x7c: {  	_ =	shalt  }
0x7d: {  	_ =	shalt  }
0x7e: {  	_ =	shalt  }
0x7f: {  	_ =	shalt  }
0x80: {  	_ =	shalt  }
0x81: {  	_ =	shalt  }
0x82: {  	_ =	shalt  }
0x83: {  	_ =	shalt  }
0x84: {  	_ =	shalt  }
0x85: {  	_ =	shalt  }
0x86: {  	_ =	shalt  }
0x87: {  	_ =	shalt  }
.Lfunc_end0:
.L_simem_size_0:
called_computation.1_lowered:
.L_overlay_start_0:
0x88: {  	s2 =	sld [smem:$0x3FD9]  }
0x89: {  	s3 =	sld [smem:$0x3FFE];
	_ =	sdelay $0x1  }
0x8a: {  	s1 =	srdreg.scid  }
0x8b: {  	s0 =	sand.u32 $0x1, s1  }
0x8c: {  	s17 =	sshll.u32 s0, $0xA;
	s2 =	sadd.s32 s3, s2  }
0x8d: {  	s2 =	sadd.s32 s2, s17  }
0x8e: {  	[smem:$0x3FC4] =	sst s2  }
0x8f: {  	_ = 	snop  }
0x90: {  	(tm) =	ssettm $0x1  }
0x91: {  	s18 =	sld [smem:$0x3FFB];
	_ =	sdelay $0x3  }
0x92: {  	_ =	strace s18  }
0x93: {  	s2 =	sld [smem:$0x3FFC];
	_ =	sdelay $0x3  }
0x94: {  	_ =	strace s2  }
0x95: {  	s2 =	sld [smem:$0x3FFD];
	_ =	sdelay $0x3  }
0x96: {  	_ =	strace s2  }
0x97: {  	_ =	strace $0x8FFFFFFF  }
0x98: {  	s19 =	sld [smem:$0x3FDB];
	_ =	sdelay $0x1  }
0x99: {  	s20 =	simm.s32 $_scs_section_size  }
0x9a: {  	s4 =	simm.s32 $_size__tile_overlayer_lowered;
	s5 =	simm.s32 $_tile_overlayer_lowered  }
0x9b: {  	s6 =	simm.s32 $0x1BFF;
	s21 =	sshll.u32 s5, $0x1;
	s3 =	sadd.s32 s20, s19  }
0x9c: {  	s22 =	simm.s32 $0x0;
	s4 =	sshll.u32 s4, $0x1;
	s5 =	sadd.s32 s21, s3  }
0x9d: {  	[timem:s22], [sflag:s6] =	dma.local [hbm:s5], s4  }
0x9e: {  	_ =	swait.ge [sflag:s6], s4  }
0x9f: {  	s4 =	ssub.s32 $0x0, s4;
	[sflag:s6] =	ssyncset.done $0x0  }
0xa0: {  	[sflag:s6] =	ssyncadd.s32 s4;
	_ =	sdelay $0x1  }
0xa1: {  	s23 =	simm.s32 $0x1B8B  }
0xa2: {  	_ =	swait.ge [sflag:s23], $0x1  }
0xa3: {  	[sflag:s23] =	ssyncset.done $0x0  }
0xa4: {  	[sflag:s23] =	ssyncadd.s32 $0xFFFFFFFF  }
0xa5: {  	s4 =	sld [smem:$0x0]  }
0xa6: {  	s5 =	sand.u32 $0xFFFFFFFE, s1  }
0xa7: {  	p0 =	sne.s32 s1, s5  }
0xa8: {  	s5 =	sshll.u32 @p0 s5, $0xE  }
0xa9: {  	s5 =	sadd.s32 @p0 $0x11B8D, s5;
	s6 =	sshll.u32 @p0 s4, $0x11  }
0xaa: {  	s5 =	sor.u32 @p0 s6, s5  }
0xab: {  	[sflag:s5] =	ssyncadd.remote.s32 @p0 $0x1;
	_ =	sdelay $0x1  }
0xac: {  	s5 =	simm.s32 @p0 $0x1B8D  }
0xad: {  	_ =	swait.eq @p0 [sflag:s5], $0x1  }
0xae: {  	[sflag:s5] =	ssyncadd.s32 @p0 $0xFFFFFFFF  }
0xaf: {  	s6 =	sshll.u32 @!p0 s1, $0xE  }
0xb0: {  	s6 =	sor.u32 @!p0 $0x4000, s6;
	s5 =	simm.s32 @!p0 $0x1B8D  }
0xb1: {  	s4 =	sshll.u32 @!p0 s4, $0x11;
	s6 =	sadd.s32 @!p0 $0x11B8D, s6;
	_ =	swait.eq @!p0 [sflag:s5], $0x1  }
0xb2: {  	s4 =	sor.u32 @!p0 s4, s6;
	[sflag:s5] =	ssyncadd.s32 @!p0 $0xFFFFFFFF  }
0xb3: {  	s25 =	simm.s32 $0x1B8E;
	s24 =	sld [smem:$0x3FFE];
	[sflag:s4] =	ssyncadd.remote.s32 @!p0 $0x1  }
0xb4: {  	s26 =	simm.s32 $execute0_lowered;
	[smem:$0x3FD2] =	sst s25  }
0xb5: {  	s5 =	sshll.u32 s26, $0x1;
	_ =	strace $0x80000049;
	[dreg:$0x1] =	wrdreg $0xFFFFFFFF  }
0xb6: {  	s28 =	simm.s32 $_size_execute0_lowered;
	s3 =	sadd.s32 s3, s5;
	[dreg:$0x0] =	wrdreg $0x0  }
0xb7: {  	s5 =	sshll.u32 s28, $0x1;
	[dreg:$0x2] =	wrdreg s3  }
0xb8: {  	[dreg:$0x3] =	wrdreg s5  }
0xb9: {  	[dreg:$0x4] =	wrdreg $0xC0  }
0xba: {  	_ =	task [dreg:s22], $0x5FFFF  }
0xbb: {  	[dreg:$0x1] =	wrdreg $0xFFFFFFFF  }
0xbc: {  	[dreg:$0x0] =	wrdreg $0x60  }
0xbd: {  	[dreg:$0x2] =	wrdreg s24  }
0xbe: {  	[dreg:$0x3] =	wrdreg $0xA  }
0xbf: {  	_ =	task.clear_ibuf [dreg:s22], $0x4FFFF;
	_ =	strace $0x90000049  }
0xc0: {  	s29 =	simm.s32 $0xA;
	_ =	strace $0x8000004B  }
0xc1: {  	_ =	swait.ge [sflag:s29], $0x1  }
0xc2: {  	[sflag:s29] =	ssyncadd.s32 $0xFFFFFFFF  }
0xc3: {  	_ =	strace $0x9000004B  }
0xc4: {  	_ =	sfence  }
0xc5: {  	s30 =	sld [smem:$0x0];
	_ =	sdelay $0x2  }
0xc6: {  	s31 =	sshll.u32 s1, $0xD;
	s1 =	sshrl.u32 s1, $0x2  }
0xc7: {  	s4 =	sand.u32 $0x4000, s31;
	s1 =	sadd.s32 s1, s30  }
0xc8: {  	s0 =	sor.u32 s4, s0;
	s1 =	sshll.u32 s1, $0x11  }
0xc9: {  	s0 =	sor.u32 s1, s0  }
0xca: {  	s0 =	sadd.s32 $0x8F2B, s0  }
0xcb: {  	[sflag:s0] =	ssyncadd.remote.s32 $0x1  }
0xcc: {  	_ =	sfence.sel $0xFFFF  }
0xcd: {  	[dreg:$0x0] =	wrdreg $0xFFFFFFFF;
	(pc) =	sbr.abs _section_cstart, $3  }
0xce: {  	[dreg:$0x1] =	wrdreg $0xFFFFFFFF  }
0xcf: {  	_ =	task.clear_ibuf [dreg:s22], $0x2FFFF;
	_ =	strace $0x9FFFFFFF  }
0xd0: {  	(tm) =	ssettm $0x7FFFFFFF  }
0xd1: {  	_ =	shalt  }
tec
execute0_lowered:
.L_overlay_start_1:
0x0: {  	(tag) =	ssettag $0x1  }
0x1: {  	s1 =	srdreg.scid;
	s0 =	stileid.u32  }
0x2: {  	s22 =	sand.u32 $0x1, s1;
	s30 =	sshll.u32 s0, $0x1  }
0x3: {  	s17 =	sor.u32 s22, s30  }
0x4: {  	s3 =	smul.u32 $0x60, s17;
	_ =	sdelay $0x1  }
0x5: {  	s12 =	rddreg [dreg:$0x0];
	s3 =	sadd.s32 $0x400, s3  }
0x6: {  	s2 =	simm.s32 $0x0;
	s1 =	rddreg [dreg:$0x1];
	s3 =	sand.u32 $0x1F80, s3  }
0x7: {  	s4 =	simm.s32 $0x3;
	[smem:$0x7FF] =	sst s2;
	s3 =	sadd.s32 s3, s12  }
0x8: {  	_ =	strace $0x8000004A;
	s5 =	smul.u32 $0xC00, s17;
	s3 =	sadd.s32 $0x21600, s3  }
0x9: {  	[tilespmem:s2], [sflag:$0x3] =	stream.linear.gather [hbm4b:s3+s2], $0x800, $0x38;
	[tilespmem:$0x8800] =	vst v63  }
0xa: {  	s7 =	simm.s32 $0x80;
	_ =	swait.ge [sflag:s4], $0x800  }
0xb: {  	s8 =	simm.s32 $0x800;
	s6 =	sand.u32 $0xC00, s5;
	[sflag:s4] =	ssyncset.done $0x0  }
0xc: {  	s5 =	sadd.s32 $0x1600, s12;
	s6 =	sshrl.u32 s6, $0x2;
	[sflag:s4] =	ssyncadd.s32 $0xFFFFF800  }
0xd: {  	[tilespmem:s8], [sflag:$0x1] =	stream.indirect.gather [hbm4b:s5+s7], $0x80, s6, s7, $0xb8;
	[tilespmem:$0x8800] =	vst v63  }
0xe: {  	s10 =	simm.s32 $0x4800;
	s11 =	simm.s32 $0x1;
	s9 =	sor.u32 $0x80, s6  }
0xf: {  	[tilespmem:s10], [sflag:$0x2] =	stream.indirect.gather [hbm4b:s5+s7], $0x80, s9, s7, $0xb8;
	[tilespmem:$0x8800] =	vst v63  }
0x10: {  	s13 =	smul.u32 $0x3000, s17;
	_ =	swait.ge [sflag:s11], $0x4000  }
0x11: {  	s18 =	sadd.s32 $0x22800, s12;
	[sflag:s11] =	ssyncset.done $0x0  }
0x12: {  	s12 =	sadd.s32 s18, s13;
	[sflag:s11] =	ssyncadd.s32 $0xFFFFC000  }
0x13: {  	[hbm4b:s12+s2] =	stream.linear.scatter [tilespmem:s8], [sflag:$0x3], $0x4000, $0x38;
	[tilespmem:$0x8800] =	vst v63  }
0x14: {  	_ =	swait.ge [sflag:s4], $0x4000  }
0x15: {  	[sflag:s4] =	ssyncset.done $0x0  }
0x16: {  	s14 =	simm.s32 $0x2;
	s13 =	sadd.s32 $0x100, s6;
	[sflag:s4] =	ssyncadd.s32 $0xFFFFC000  }
0x17: {  	[tilespmem:s8], [sflag:$0x1] =	stream.indirect.gather [hbm4b:s5+s7], $0x80, s13, s7, $0xb8;
	[tilespmem:$0x8800] =	vst v63  }
0x18: {  	_ =	swait.ge [sflag:s14], $0x4000  }
0x19: {  	[sflag:s14] =	ssyncset.done $0x0  }
0x1a: {  	s15 =	sadd.s32 $0x800, s12;
	[sflag:s14] =	ssyncadd.s32 $0xFFFFC000  }
0x1b: {  	[hbm4b:s15+s2] =	stream.linear.scatter [tilespmem:s10], [sflag:$0x3], $0x4000, $0x38;
	[tilespmem:$0x8800] =	vst v63  }
0x1c: {  	_ =	swait.ge [sflag:s4], $0x4000  }
0x1d: {  	[sflag:s4] =	ssyncset.done $0x0  }
0x1e: {  	s17 =	smul.u32 $0x18000, s17;
	s16 =	sadd.s32 $0x180, s6;
	[sflag:s4] =	ssyncadd.s32 $0xFFFFC000  }
0x1f: {  	[tilespmem:s10], [sflag:$0x2] =	stream.indirect.gather [hbm4b:s5+s7], $0x80, s16, s7, $0xb8;
	[tilespmem:$0x8800] =	vst v63  }
0x20: {  	s17 =	sshrl.u32 s17, $0x3;
	_ =	swait.ge [sflag:s11], $0x4000  }
0x21: {  	s23 =	sadd.s32 s18, s17;
	[sflag:s11] =	ssyncset.done $0x0  }
0x22: {  	s17 =	sadd.s32 $0x1000, s23;
	[sflag:s11] =	ssyncadd.s32 $0xFFFFC000  }
0x23: {  	[hbm4b:s17+s2] =	stream.linear.scatter [tilespmem:s8], [sflag:$0x3], $0x4000, $0x38;
	[tilespmem:$0x8800] =	vst v63  }
0x24: {  	_ =	swait.ge [sflag:s4], $0x4000  }
0x25: {  	[sflag:s4] =	ssyncset.done $0x0  }
0x26: {  	s18 =	sadd.s32 $0x200, s6;
	[sflag:s4] =	ssyncadd.s32 $0xFFFFC000  }
0x27: {  	[tilespmem:s8], [sflag:$0x1] =	stream.indirect.gather [hbm4b:s5+s7], $0x80, s18, s7, $0xb8;
	[tilespmem:$0x8800] =	vst v63  }
0x28: {  	_ =	swait.ge [sflag:s14], $0x4000  }
0x29: {  	[sflag:s14] =	ssyncset.done $0x0  }
0x2a: {  	s19 =	sadd.s32 $0x1800, s23;
	[sflag:s14] =	ssyncadd.s32 $0xFFFFC000  }
0x2b: {  	[hbm4b:s19+s2] =	stream.linear.scatter [tilespmem:s10], [sflag:$0x3], $0x4000, $0x38;
	[tilespmem:$0x8800] =	vst v63  }
0x2c: {  	_ =	swait.ge [sflag:s4], $0x4000  }
0x2d: {  	[sflag:s4] =	ssyncset.done $0x0  }
0x2e: {  	s20 =	sadd.s32 $0x280, s6;
	[sflag:s4] =	ssyncadd.s32 $0xFFFFC000  }
0x2f: {  	[tilespmem:s10], [sflag:$0x2] =	stream.indirect.gather [hbm4b:s5+s7], $0x80, s20, s7, $0xb8;
	[tilespmem:$0x8800] =	vst v63  }
0x30: {  	_ =	swait.ge [sflag:s11], $0x4000  }
0x31: {  	[sflag:s11] =	ssyncset.done $0x0  }
0x32: {  	s22 =	ssub.s32 $0x2, s22;
	s21 =	sadd.s32 $0x2000, s23;
	[sflag:s11] =	ssyncadd.s32 $0xFFFFC000  }
0x33: {  	[hbm4b:s21+s2] =	stream.linear.scatter [tilespmem:s8], [sflag:$0x3], $0x4000, $0x38;
	[tilespmem:$0x8800] =	vst v63  }
0x34: {  	s24 =	sshrl.u32 s22, $0x1;
	_ =	swait.ge [sflag:s4], $0x4000  }
0x35: {  	s24 =	ssub.s32 s22, s24;
	[sflag:s4] =	ssyncset.done $0x0  }
0x36: {  	s31 =	smax.u32 s24, $0x1;
	[sflag:s4] =	ssyncadd.s32 $0xFFFFC000  }
0x37: {  	p0 =	sne.s32 s31, $0x1;
	_ =	swait.ge [sflag:s14], $0x4000  }
.Ltmp0:
0x38: {  	[sflag:s14] =	ssyncset.done $0x0;
	(pc) =	sbr.rel @!p0 .LBB2_2-.Ltmp0, $4  }
0x39: {  	s22 =	sadd.s32 $0x2800, s23;
	[sflag:s14] =	ssyncadd.s32 $0xFFFFC000  }
0x3a: {  	[hbm4b:s22+s2] =	stream.linear.scatter [tilespmem:s10], [sflag:$0x3], $0x4000, $0x38;
	[tilespmem:$0x8800] =	vst v63  }
0x3b: {  	_ =	swait.ge [sflag:s4], $0x4000  }
0x3c: {  	s23 =	sadd.s32 $0xFFFFFFFF, s31;
	[sflag:s4] =	ssyncset.done $0x0  }
.LBB2_1:
0x3d: {  	p0 =	sne.s32 s23, $0x1;
	s23 =	sadd.s32 $0xFFFFFFFF, s23;
	[sflag:s4] =	ssyncadd.s32 $0xFFFFC000  }
0x3e: {  	[tilespmem:s2], [sflag:$0x3] =	stream.linear.gather [hbm4b:s3+s2], $0x800, $0x38;
	[tilespmem:$0x8800] =	vst v63  }
0x3f: {  	_ =	swait.ge [sflag:s4], $0x800  }
0x40: {  	[sflag:s4] =	ssyncset.done $0x0  }
0x41: {  	[sflag:s4] =	ssyncadd.s32 $0xFFFFF800  }
0x42: {  	[tilespmem:s8], [sflag:$0x1] =	stream.indirect.gather [hbm4b:s5+s7], $0x80, s6, s7, $0xb8;
	[tilespmem:$0x8800] =	vst v63  }
0x43: {  	_ = 	snop  }
0x44: {  	[tilespmem:s10], [sflag:$0x2] =	stream.indirect.gather [hbm4b:s5+s7], $0x80, s9, s7, $0xb8;
	[tilespmem:$0x8800] =	vst v63  }
0x45: {  	_ =	swait.ge [sflag:s11], $0x4000  }
0x46: {  	[sflag:s11] =	ssyncset.done $0x0  }
0x47: {  	[sflag:s11] =	ssyncadd.s32 $0xFFFFC000  }
0x48: {  	[hbm4b:s12+s2] =	stream.linear.scatter [tilespmem:s8], [sflag:$0x3], $0x4000, $0x38;
	[tilespmem:$0x8800] =	vst v63  }
0x49: {  	_ =	swait.ge [sflag:s4], $0x4000  }
0x4a: {  	[sflag:s4] =	ssyncset.done $0x0  }
0x4b: {  	[sflag:s4] =	ssyncadd.s32 $0xFFFFC000  }
0x4c: {  	[tilespmem:s8], [sflag:$0x1] =	stream.indirect.gather [hbm4b:s5+s7], $0x80, s13, s7, $0xb8;
	[tilespmem:$0x8800] =	vst v63  }
0x4d: {  	_ =	swait.ge [sflag:s14], $0x4000  }
0x4e: {  	[sflag:s14] =	ssyncset.done $0x0  }
0x4f: {  	[sflag:s14] =	ssyncadd.s32 $0xFFFFC000  }
0x50: {  	[hbm4b:s15+s2] =	stream.linear.scatter [tilespmem:s10], [sflag:$0x3], $0x4000, $0x38;
	[tilespmem:$0x8800] =	vst v63  }
0x51: {  	_ =	swait.ge [sflag:s4], $0x4000  }
0x52: {  	[sflag:s4] =	ssyncset.done $0x0  }
0x53: {  	[sflag:s4] =	ssyncadd.s32 $0xFFFFC000  }
0x54: {  	[tilespmem:s10], [sflag:$0x2] =	stream.indirect.gather [hbm4b:s5+s7], $0x80, s16, s7, $0xb8;
	[tilespmem:$0x8800] =	vst v63  }
0x55: {  	_ =	swait.ge [sflag:s11], $0x4000  }
0x56: {  	[sflag:s11] =	ssyncset.done $0x0  }
0x57: {  	[sflag:s11] =	ssyncadd.s32 $0xFFFFC000  }
0x58: {  	[hbm4b:s17+s2] =	stream.linear.scatter [tilespmem:s8], [sflag:$0x3], $0x4000, $0x38;
	[tilespmem:$0x8800] =	vst v63  }
0x59: {  	_ =	swait.ge [sflag:s4], $0x4000  }
0x5a: {  	[sflag:s4] =	ssyncset.done $0x0  }
0x5b: {  	[sflag:s4] =	ssyncadd.s32 $0xFFFFC000  }
0x5c: {  	[tilespmem:s8], [sflag:$0x1] =	stream.indirect.gather [hbm4b:s5+s7], $0x80, s18, s7, $0xb8;
	[tilespmem:$0x8800] =	vst v63  }
0x5d: {  	_ =	swait.ge [sflag:s14], $0x4000  }
0x5e: {  	[sflag:s14] =	ssyncset.done $0x0  }
0x5f: {  	[sflag:s14] =	ssyncadd.s32 $0xFFFFC000  }
0x60: {  	[hbm4b:s19+s2] =	stream.linear.scatter [tilespmem:s10], [sflag:$0x3], $0x4000, $0x38;
	[tilespmem:$0x8800] =	vst v63  }
0x61: {  	_ =	swait.ge [sflag:s4], $0x4000  }
0x62: {  	[sflag:s4] =	ssyncset.done $0x0  }
0x63: {  	[sflag:s4] =	ssyncadd.s32 $0xFFFFC000  }
0x64: {  	[tilespmem:s10], [sflag:$0x2] =	stream.indirect.gather [hbm4b:s5+s7], $0x80, s20, s7, $0xb8;
	[tilespmem:$0x8800] =	vst v63  }
0x65: {  	_ =	swait.ge [sflag:s11], $0x4000  }
0x66: {  	[sflag:s11] =	ssyncset.done $0x0  }
0x67: {  	[sflag:s11] =	ssyncadd.s32 $0xFFFFC000  }
0x68: {  	[hbm4b:s21+s2] =	stream.linear.scatter [tilespmem:s8], [sflag:$0x3], $0x4000, $0x38;
	[tilespmem:$0x8800] =	vst v63  }
0x69: {  	_ =	swait.ge [sflag:s4], $0x4000  }
0x6a: {  	[sflag:s4] =	ssyncset.done $0x0  }
0x6b: {  	[sflag:s4] =	ssyncadd.s32 $0xFFFFC000  }
0x6c: {  	_ =	swait.ge [sflag:s14], $0x4000  }
.Ltmp1:
0x6d: {  	[sflag:s14] =	ssyncset.done $0x0;
	(pc) =	sbr.rel @p0 .LBB2_1-.Ltmp1, $4  }
0x6e: {  	[sflag:s14] =	ssyncadd.s32 $0xFFFFC000  }
0x6f: {  	[hbm4b:s22+s2] =	stream.linear.scatter [tilespmem:s10], [sflag:$0x3], $0x4000, $0x38;
	[tilespmem:$0x8800] =	vst v63  }
0x70: {  	_ =	swait.ge [sflag:s4], $0x4000  }
0x71: {  	[sflag:s4] =	ssyncset.done $0x0  }
.LBB2_2:
0x72: {  	[sflag:s4] =	ssyncadd.s32 $0xFFFFC000  }
0x73: {  	_ =	sfence.sel $0x180000  }
0x74: {  	[bflag:$0x0] =	sbarrier.arrive $0xFFFF  }
0x75: {  	p0 =	sne.s32 s0, $0x0;
	_ =	strace $0x9000004A  }
0x76: {  	s0 =	sadd.s32 @!p0 $0x100000, s1;
	[bflag:$0x2] =	sbarrier.arrive $0xFFFF  }
0x77: {  	[sflag:s0] =	ssyncadd.tile.s32 @!p0 $0x1;
	_ =	shalt  }
.Lfunc_end2:
_tile_overlayer_lowered:
.L_overlay_start_2:
0x78: {  	(tag) =	ssettag $0x2  }
0x79: {  	s0 =	rddreg [dreg:$0x0];
	s2 =	stileid.u32  }
0x7a: {  	s1 =	rddreg [dreg:$0x1];
	p0 =	sne.s32 s2, $0x0  }
0x7b: {  	s3 =	rddreg [dreg:$0x2];
	[bflag:$0x3] =	sbarrier.arrive $0xFFFF;
	s2 =	simm.s32 @!p0 $0x1C03  }
0x7c: {  	[timem:s3], [sflag:s2] =	dma.local @!p0 [hbm:s0], s1  }
0x7d: {  	s0 =	simm.s32 @!p0 $0x3  }
0x7e: {  	_ =	swait.ge @!p0 [sflag:s0], s1  }
0x7f: {  	s1 =	ssub.s32 @!p0 $0x0, s1;
	[sflag:s0] =	ssyncset.done @!p0 $0x0  }
0x80: {  	[sflag:s0] =	ssyncadd.s32 @!p0 s1  }
0x81: {  	[bflag:$0x3] =	sbarrier.arrive $0xFFFF  }
0x82: {  	_ =	shalt  }

// kernel: kernel.7.cloned.1.call-start
scs
__scs_entry_jumppad:
0x0: {  	(pc) =	sbr.rel $0x88, $3  }
0x1: {  	(tag) =	ssettag $0x0;
	lr =	simm.s32 $0x1  }
0x2: {  	[smem:$0x3F9D] =	sst lr;
	_ =	strace $0xD0000000  }
0x3: {  	_ = 	snop  }
0x4: {  	_ = 	snop  }
0x5: {  	_ = 	snop  }
0x6: {  	_ = 	snop  }
0x7: {  	_ = 	snop  }
__scs_overlays_trampoline_lowered:
0x8: {  	[smem:$0x3FAC] =	sst s0  }
0x9: {  	[smem:$0x3FAD] =	sst s1  }
0xa: {  	[smem:$0x3FAE] =	sst s2  }
0xb: {  	[smem:$0x3FAF] =	sst s3  }
0xc: {  	[smem:$0x3FB0] =	sst s4  }
0xd: {  	[smem:$0x3FB1] =	sst s5  }
0xe: {  	[smem:$0x3FB2] =	sst s6  }
0xf: {  	[smem:$0x3FB3] =	sst s7  }
0x10: {  	[smem:$0x3FB4] =	sst s8  }
0x11: {  	[smem:$0x3FB5] =	sst s9;
	s0 =	simm.s32 @!p0 $0x0  }
0x12: {  	s1 =	sld [smem:$0x3F9B];
	s0 =	simm.s32 @p0 $0x1  }
0x13: {  	[smem:$0x3FB6] =	sst s0;
	s0 =	simm.s32 @!p1 $0x0  }
0x14: {  	s2 =	sld [smem:$0x3F9A];
	s0 =	simm.s32 @p1 $0x1  }
0x15: {  	[smem:$0x3FB7] =	sst s0;
	s0 =	simm.s32 @!p2 $0x0  }
0x16: {  	s3 =	sld [smem:$0x3FDB];
	s0 =	simm.s32 @p2 $0x1  }
0x17: {  	s4 =	simm.s32 $0x1BF5;
	[smem:$0x3FB9] =	sst s0  }
0x18: {  	s0 =	sld [smem:$0x3F9C];
	_ =	swait.ge [sflag:s4], $0x0  }
0x19: {  	s7 =	sld [smem:$0x3F9D]  }
0x1a: {  	s8 =	sadd.s32 $0xFFFFE003, lr  }
0x1b: {  	s9 =	sadd.s32 $0xFFFFFEF7, lr;
	s5 =	simm.s32 $0xFFFFFFFF;
	p2 =	slt.u32 s8, $0xFFFFF086  }
0x1c: {  	p1 =	slt.u32 s9, $0xF7A;
	s5 =	simm.s32 @!p2 $0x0  }
0x1d: {  	s5 =	simm.s32 @p1 $0x1;
	p0 =	seq.s32 s7, s2  }
0x1e: {  	s7 =	smul.u32 @!p0 $0xF7A, s2;
	p2 =	seq.s32 @!p0 s5, $0x0  }
0x1f: {  	s9 =	smul.u32 $0xF7A, s1;
	s8 =	simm.s32 @!p0 $0x1BF5;
	p2 =	por !p2, p0  }
0x20: {  	[sflag:s8] =	ssyncset.s32 @!p0 $0xFFFFF086;
	s6 =	sadd.s32 @!p0 s3, s7;
	s7 =	simm.s32 @!p0 $0x108  }
0x21: {  	s3 =	sadd.s32 s3, s9;
	s6 =	sadd.s32 @!p0 $0x88, s6;
	s7 =	simm.s32 @p2 $0x1082  }
0x22: {  	[simem:s7], [sflag:s8] =	dma.local @!p0 [hbm:s6], $0xF7A  }
0x23: {  	s9 =	sor.u32 $0xD0000000, s2;
	s6 =	simm.s32 $0x108;
	_ =	swait.ge @!p0 [sflag:s8], $0x0  }
0x24: {  	s3 =	sadd.s32 $0x88, s3;
	s6 =	simm.s32 @!p1 $0x1082;
	[sflag:s4] =	ssyncset.s32 $0xFFFFF086  }
0x25: {  	[simem:s6], [sflag:s4] =	dma.local [hbm:s3], $0xF7A  }
0x26: {  	[smem:$0x3F9D] =	sst s1;
	(tag) =	ssettag s2;
	_ =	strace s9  }
0x27: {  	s1 =	sld [smem:$0x3FAD]  }
0x28: {  	s2 =	sld [smem:$0x3FAE]  }
0x29: {  	s4 =	sld [smem:$0x3FB0]  }
0x2a: {  	p0 =	seq.s32 s5, $0x0;
	s5 =	sld [smem:$0x3FB1]  }
0x2b: {  	s6 =	sld [smem:$0x3FB2]  }
0x2c: {  	s7 =	sld [smem:$0x3FB3]  }
0x2d: {  	s3 =	simm.s32 $0x108;
	s8 =	sld [smem:$0x3FB4]  }
0x2e: {  	s3 =	simm.s32 @!p0 $0x1082;
	s9 =	sld [smem:$0x3FB5]  }
0x2f: {  	lr =	sadd.s32 s0, s3;
	s0 =	sld [smem:$0x3FAC]  }
0x30: {  	s3 =	sld [smem:$0x3FAF]  }
0x31: {  	[smem:$0x3FB8] =	sst s10  }
0x32: {  	s10 =	sld [smem:$0x3FB6];
	_ =	sdelay $0x3  }
0x33: {  	p0 =	seq.s32 s10, $0x1;
	s10 =	sld [smem:$0x3FB8];
	_ =	sdelay $0x3  }
0x34: {  	[smem:$0x3FB8] =	sst s10  }
0x35: {  	s10 =	sld [smem:$0x3FB7];
	_ =	sdelay $0x3  }
0x36: {  	p1 =	seq.s32 s10, $0x1;
	s10 =	sld [smem:$0x3FB8];
	_ =	sdelay $0x3  }
0x37: {  	[smem:$0x3FB8] =	sst s10  }
0x38: {  	s10 =	sld [smem:$0x3FB9]  }
0x39: {  	_ = 	snop;
	(pc) =	sbr.ind lr, $3  }
0x3a: {  	_ = 	snop  }
0x3b: {  	_ = 	snop  }
0x3c: {  	p2 =	seq.s32 s10, $0x1;
	s10 =	sld [smem:$0x3FB8]  }
0x3d: {  	_ =	shalt  }
0x3e: {  	_ =	shalt  }
0x3f: {  	_ =	shalt  }
0x40: {  	_ =	shalt  }
0x41: {  	_ =	shalt  }
0x42: {  	_ =	shalt  }
0x43: {  	_ =	shalt  }
0x44: {  	_ =	shalt  }
0x45: {  	_ =	shalt  }
0x46: {  	_ =	shalt  }
0x47: {  	_ =	shalt  }
0x48: {  	_ =	shalt  }
0x49: {  	_ =	shalt  }
0x4a: {  	_ =	shalt  }
0x4b: {  	_ =	shalt  }
0x4c: {  	_ =	shalt  }
0x4d: {  	_ =	shalt  }
0x4e: {  	_ =	shalt  }
0x4f: {  	_ =	shalt  }
0x50: {  	_ =	shalt  }
0x51: {  	_ =	shalt  }
0x52: {  	_ =	shalt  }
0x53: {  	_ =	shalt  }
0x54: {  	_ =	shalt  }
0x55: {  	_ =	shalt  }
0x56: {  	_ =	shalt  }
0x57: {  	_ =	shalt  }
0x58: {  	_ =	shalt  }
0x59: {  	_ =	shalt  }
0x5a: {  	_ =	shalt  }
0x5b: {  	_ =	shalt  }
0x5c: {  	_ =	shalt  }
0x5d: {  	_ =	shalt  }
0x5e: {  	_ =	shalt  }
0x5f: {  	_ =	shalt  }
0x60: {  	_ =	shalt  }
0x61: {  	_ =	shalt  }
0x62: {  	_ =	shalt  }
0x63: {  	_ =	shalt  }
0x64: {  	_ =	shalt  }
0x65: {  	_ =	shalt  }
0x66: {  	_ =	shalt  }
0x67: {  	_ =	shalt  }
0x68: {  	_ =	shalt  }
0x69: {  	_ =	shalt  }
0x6a: {  	_ =	shalt  }
0x6b: {  	_ =	shalt  }
0x6c: {  	_ =	shalt  }
0x6d: {  	_ =	shalt  }
0x6e: {  	_ =	shalt  }
0x6f: {  	_ =	shalt  }
0x70: {  	_ =	shalt  }
0x71: {  	_ =	shalt  }
0x72: {  	_ =	shalt  }
0x73: {  	_ =	shalt  }
0x74: {  	_ =	shalt  }
0x75: {  	_ =	shalt  }
0x76: {  	_ =	shalt  }
0x77: {  	_ =	shalt  }
0x78: {  	_ =	shalt  }
0x79: {  	_ =	shalt  }
0x7a: {  	_ =	shalt  }
0x7b: {  	_ =	shalt  }
0x7c: {  	_ =	shalt  }
0x7d: {  	_ =	shalt  }
0x7e: {  	_ =	shalt  }
0x7f: {  	_ =	shalt  }
0x80: {  	_ =	shalt  }
0x81: {  	_ =	shalt  }
0x82: {  	_ =	shalt  }
0x83: {  	_ =	shalt  }
0x84: {  	_ =	shalt  }
0x85: {  	_ =	shalt  }
0x86: {  	_ =	shalt  }
0x87: {  	_ =	shalt  }
.Lfunc_end0:
.L_simem_size_0:
called_computation_lowered:
.L_overlay_start_0:
0x88: {  	s2 =	sld [smem:$0x3FD9]  }
0x89: {  	s3 =	sld [smem:$0x3FFE];
	_ =	sdelay $0x1  }
0x8a: {  	s1 =	srdreg.scid  }
0x8b: {  	s0 =	sand.u32 $0x1, s1  }
0x8c: {  	s17 =	sshll.u32 s0, $0xA;
	s2 =	sadd.s32 s3, s2  }
0x8d: {  	s2 =	sadd.s32 s2, s17  }
0x8e: {  	[smem:$0x3FC4] =	sst s2  }
0x8f: {  	_ = 	snop  }
0x90: {  	s2 =	sld [smem:$0x3FD0];
	(tm) =	ssettm $0x1  }
0x91: {  	s18 =	sld [smem:$0x3FFB];
	_ =	sdelay $0x3  }
0x92: {  	_ =	strace s18  }
0x93: {  	s3 =	sld [smem:$0x3FFC];
	_ =	sdelay $0x3  }
0x94: {  	_ =	strace s3  }
0x95: {  	s3 =	sld [smem:$0x3FFD];
	_ =	sdelay $0x3  }
0x96: {  	_ =	strace s3  }
0x97: {  	_ =	strace $0x8FFFFFFF  }
0x98: {  	s19 =	sld [smem:$0x3FDB];
	_ =	sdelay $0x1  }
0x99: {  	s4 =	simm.s32 $_scs_section_size  }
0x9a: {  	s5 =	simm.s32 $_size__tile_overlayer_lowered;
	s6 =	simm.s32 $_tile_overlayer_lowered  }
0x9b: {  	s22 =	simm.s32 $0x1BFF;
	s21 =	sshll.u32 s6, $0x1;
	s3 =	sadd.s32 s4, s19  }
0x9c: {  	s7 =	simm.s32 $0x0;
	s20 =	sshll.u32 s5, $0x1;
	s5 =	sadd.s32 s21, s3  }
0x9d: {  	[timem:s7], [sflag:s22] =	dma.local [hbm:s5], s20  }
0x9e: {  	_ =	swait.ge [sflag:s22], s20  }
0x9f: {  	s4 =	ssub.s32 $0x0, s20;
	[sflag:s22] =	ssyncset.done $0x0  }
0xa0: {  	[sflag:s22] =	ssyncadd.s32 s4;
	_ =	sdelay $0x1  }
0xa1: {  	s23 =	simm.s32 $0x1B8B  }
0xa2: {  	_ =	swait.ge [sflag:s23], $0x1  }
0xa3: {  	[sflag:s23] =	ssyncset.done $0x0  }
0xa4: {  	s25 =	simm.s32 $0x1B8E;
	s24 =	sld [smem:$0x3FFE];
	[sflag:s23] =	ssyncadd.s32 $0xFFFFFFFF  }
0xa5: {  	s26 =	simm.s32 $execute0_lowered;
	[smem:$0x3FD2] =	sst s25  }
0xa6: {  	s5 =	sshll.u32 s26, $0x1;
	_ =	strace $0x80000046;
	[dreg:$0x1] =	wrdreg $0xFFFFFFFF  }
0xa7: {  	s28 =	simm.s32 $_size_execute0_lowered;
	s3 =	sadd.s32 s3, s5;
	[dreg:$0x0] =	wrdreg $0x0  }
0xa8: {  	s5 =	sshll.u32 s28, $0x1;
	[dreg:$0x2] =	wrdreg s3  }
0xa9: {  	[dreg:$0x3] =	wrdreg s5  }
0xaa: {  	[dreg:$0x4] =	wrdreg $0xC0  }
0xab: {  	_ =	task [dreg:s7], $0x5FFFF  }
0xac: {  	[dreg:$0x1] =	wrdreg $0xFFFFFFFF  }
0xad: {  	[dreg:$0x0] =	wrdreg $0x60  }
0xae: {  	[dreg:$0x2] =	wrdreg s24  }
0xaf: {  	[dreg:$0x3] =	wrdreg s2  }
0xb0: {  	[dreg:$0x4] =	wrdreg $0x9  }
0xb1: {  	_ =	task.clear_ibuf [dreg:s7], $0x5FFFF;
	_ =	strace $0x90000046  }
0xb2: {  	s29 =	simm.s32 $0x9;
	_ =	strace $0x80000048  }
0xb3: {  	_ =	swait.ge [sflag:s29], $0x1  }
0xb4: {  	[sflag:s29] =	ssyncadd.s32 $0xFFFFFFFF  }
0xb5: {  	_ =	strace $0x90000048  }
0xb6: {  	_ =	sfence  }
0xb7: {  	s30 =	sld [smem:$0x0];
	_ =	sdelay $0x2  }
0xb8: {  	s31 =	sshll.u32 s1, $0xD;
	s1 =	sshrl.u32 s1, $0x2  }
0xb9: {  	s3 =	sand.u32 $0x4000, s31;
	s1 =	sadd.s32 s1, s30  }
0xba: {  	s0 =	sor.u32 s3, s0;
	s1 =	sshll.u32 s1, $0x11  }
0xbb: {  	s0 =	sor.u32 s1, s0  }
0xbc: {  	s0 =	sadd.s32 $0x8F2B, s0  }
0xbd: {  	[sflag:s0] =	ssyncadd.remote.s32 $0x1  }
0xbe: {  	_ =	sfence.sel $0xFFFF  }
0xbf: {  	[dreg:$0x0] =	wrdreg $0xFFFFFFFF;
	(pc) =	sbr.abs _section_cstart, $3  }
0xc0: {  	[dreg:$0x1] =	wrdreg $0xFFFFFFFF  }
0xc1: {  	_ =	task.clear_ibuf [dreg:s7], $0x2FFFF;
	_ =	strace $0x9FFFFFFF  }
0xc2: {  	(tm) =	ssettm $0x7FFFFFFF  }
0xc3: {  	_ =	shalt  }
tec
execute0_lowered:
.L_overlay_start_1:
0x0: {  	(tag) =	ssettag $0x1  }
0x1: {  	s5 =	rddreg [dreg:$0x0]  }
0x2: {  	s12 =	rddreg [dreg:$0x1]  }
0x3: {  	s0 =	rddreg [dreg:$0x2];
	s2 =	simm.s32 $0x0;
	s1 =	stileid.u32  }
0x4: {  	s4 =	srdreg.scid;
	[smem:$0x7FF] =	sst s2;
	s3 =	sshrl.u32 s1, $0x1  }
0x5: {  	s13 =	sand.u32 $0x1, s4;
	s29 =	sshll.u32 s1, $0x1;
	s6 =	sshll.u32 s3, $0x7  }
0x6: {  	s4 =	simm.s32 $0x3;
	_ =	strace $0x80000047;
	s6 =	sadd.s32 s6, s5  }
0x7: {  	s14 =	sor.u32 s13, s29;
	s7 =	sshll.u32 s3, $0xC;
	s3 =	sadd.s32 $0x21600, s6  }
0x8: {  	[tilespmem:s2], [sflag:$0x3] =	stream.linear.gather [hbm4b:s3+s2], $0x800, $0x38;
	[tilespmem:$0x8800] =	vst v63  }
0x9: {  	s8 =	simm.s32 $0x800;
	s30 =	sshll.u32 s14, $0xA;
	_ =	swait.ge [sflag:s4], $0x800  }
0xa: {  	s5 =	sadd.s32 $0x1600, s5;
	s6 =	ssub.s32 s30, s7;
	[sflag:s4] =	ssyncset.done $0x0  }
0xb: {  	s7 =	simm.s32 $0x80;
	s6 =	sshra.s32 s6, $0x2;
	[sflag:s4] =	ssyncadd.s32 $0xFFFFF800  }
0xc: {  	[tilespmem:s8], [sflag:$0x1] =	stream.indirect.gather [hbm4b:s5+s7], $0x80, s6, s7, $0xb8;
	[tilespmem:$0x8800] =	vst v63  }
0xd: {  	s10 =	simm.s32 $0x4800;
	s11 =	simm.s32 $0x1;
	s9 =	sor.u32 $0x80, s6  }
0xe: {  	[tilespmem:s10], [sflag:$0x2] =	stream.indirect.gather [hbm4b:s5+s7], $0x80, s9, s7, $0xb8;
	[tilespmem:$0x8800] =	vst v63  }
0xf: {  	_ =	swait.ge [sflag:s11], $0x4000  }
0x10: {  	s14 =	sshll.u32 s14, $0xC;
	[sflag:s11] =	ssyncset.done $0x0  }
0x11: {  	s31 =	ssub.s32 $0x2, s13;
	s12 =	sadd.s32 s12, s14;
	[sflag:s11] =	ssyncadd.s32 $0xFFFFC000  }
0x12: {  	[hbm4b:s12+s2] =	stream.linear.scatter [tilespmem:s8], [sflag:$0x3], $0x4000, $0x38;
	[tilespmem:$0x8800] =	vst v63  }
0x13: {  	s15 =	sshrl.u32 s31, $0x1;
	_ =	swait.ge [sflag:s4], $0x4000  }
0x14: {  	s15 =	ssub.s32 s31, s15;
	[sflag:s4] =	ssyncset.done $0x0  }
0x15: {  	s13 =	simm.s32 $0x2;
	s15 =	smax.u32 s15, $0x1;
	[sflag:s4] =	ssyncadd.s32 $0xFFFFC000  }
0x16: {  	p0 =	sne.s32 s15, $0x1;
	_ =	swait.ge [sflag:s13], $0x4000  }
.Ltmp0:
0x17: {  	[sflag:s13] =	ssyncset.done $0x0;
	(pc) =	sbr.rel @!p0 .LBB2_2-.Ltmp0, $4  }
0x18: {  	s14 =	sadd.s32 $0x800, s12;
	[sflag:s13] =	ssyncadd.s32 $0xFFFFC000  }
0x19: {  	[hbm4b:s14+s2] =	stream.linear.scatter [tilespmem:s10], [sflag:$0x3], $0x4000, $0x38;
	[tilespmem:$0x8800] =	vst v63  }
0x1a: {  	_ =	swait.ge [sflag:s4], $0x4000  }
0x1b: {  	s15 =	sadd.s32 $0xFFFFFFFF, s15;
	[sflag:s4] =	ssyncset.done $0x0  }
.LBB2_1:
0x1c: {  	p0 =	sne.s32 s15, $0x1;
	s15 =	sadd.s32 $0xFFFFFFFF, s15;
	[sflag:s4] =	ssyncadd.s32 $0xFFFFC000  }
0x1d: {  	[tilespmem:s2], [sflag:$0x3] =	stream.linear.gather [hbm4b:s3+s2], $0x800, $0x38;
	[tilespmem:$0x8800] =	vst v63  }
0x1e: {  	_ =	swait.ge [sflag:s4], $0x800  }
0x1f: {  	[sflag:s4] =	ssyncset.done $0x0  }
0x20: {  	[sflag:s4] =	ssyncadd.s32 $0xFFFFF800  }
0x21: {  	[tilespmem:s8], [sflag:$0x1] =	stream.indirect.gather [hbm4b:s5+s7], $0x80, s6, s7, $0xb8;
	[tilespmem:$0x8800] =	vst v63  }
0x22: {  	_ = 	snop  }
0x23: {  	[tilespmem:s10], [sflag:$0x2] =	stream.indirect.gather [hbm4b:s5+s7], $0x80, s9, s7, $0xb8;
	[tilespmem:$0x8800] =	vst v63  }
0x24: {  	_ =	swait.ge [sflag:s11], $0x4000  }
0x25: {  	[sflag:s11] =	ssyncset.done $0x0  }
0x26: {  	[sflag:s11] =	ssyncadd.s32 $0xFFFFC000  }
0x27: {  	[hbm4b:s12+s2] =	stream.linear.scatter [tilespmem:s8], [sflag:$0x3], $0x4000, $0x38;
	[tilespmem:$0x8800] =	vst v63  }
0x28: {  	_ =	swait.ge [sflag:s4], $0x4000  }
0x29: {  	[sflag:s4] =	ssyncset.done $0x0  }
0x2a: {  	[sflag:s4] =	ssyncadd.s32 $0xFFFFC000  }
0x2b: {  	_ =	swait.ge [sflag:s13], $0x4000  }
.Ltmp1:
0x2c: {  	[sflag:s13] =	ssyncset.done $0x0;
	(pc) =	sbr.rel @p0 .LBB2_1-.Ltmp1, $4  }
0x2d: {  	[sflag:s13] =	ssyncadd.s32 $0xFFFFC000  }
0x2e: {  	[hbm4b:s14+s2] =	stream.linear.scatter [tilespmem:s10], [sflag:$0x3], $0x4000, $0x38;
	[tilespmem:$0x8800] =	vst v63  }
0x2f: {  	_ =	swait.ge [sflag:s4], $0x4000  }
0x30: {  	[sflag:s4] =	ssyncset.done $0x0  }
.LBB2_2:
0x31: {  	[sflag:s4] =	ssyncadd.s32 $0xFFFFC000  }
0x32: {  	_ =	sfence.sel $0x180000  }
0x33: {  	[bflag:$0x0] =	sbarrier.arrive $0xFFFF  }
0x34: {  	p0 =	sne.s32 s1, $0x0;
	_ =	strace $0x90000047  }
0x35: {  	s0 =	sadd.s32 @!p0 $0x100000, s0;
	[bflag:$0x2] =	sbarrier.arrive $0xFFFF  }
0x36: {  	[sflag:s0] =	ssyncadd.tile.s32 @!p0 $0x1;
	_ =	shalt  }
.Lfunc_end2:
_tile_overlayer_lowered:
.L_overlay_start_2:
0x37: {  	(tag) =	ssettag $0x2  }
0x38: {  	s0 =	rddreg [dreg:$0x0];
	s2 =	stileid.u32  }
0x39: {  	s1 =	rddreg [dreg:$0x1];
	p0 =	sne.s32 s2, $0x0  }
0x3a: {  	s3 =	rddreg [dreg:$0x2];
	[bflag:$0x3] =	sbarrier.arrive $0xFFFF;
	s2 =	simm.s32 @!p0 $0x1C03  }
0x3b: {  	[timem:s3], [sflag:s2] =	dma.local @!p0 [hbm:s0], s1  }
0x3c: {  	s0 =	simm.s32 @!p0 $0x3  }
0x3d: {  	_ =	swait.ge @!p0 [sflag:s0], s1  }
0x3e: {  	s1 =	ssub.s32 @!p0 $0x0, s1;
	[sflag:s0] =	ssyncset.done @!p0 $0x0  }
0x3f: {  	[sflag:s0] =	ssyncadd.s32 @!p0 s1  }
0x40: {  	[bflag:$0x3] =	sbarrier.arrive $0xFFFF  }
0x41: {  	_ =	shalt  }

</sc_bundles>
